<compile_context>
chip_gen: v7x
topology: tpu7x:2x2x1
jax: 0.10.2.dev20260603
libtpu: 0.0.44.dev20260713+nightly
codegen_flags: <defaults>
</compile_context>

<pallas_src>
import dataclasses
import functools

import jax
import jax.numpy as jnp
from jax import lax
from jax.experimental import pallas as pl
from jax.experimental.pallas import tpu as pltpu
from jax.experimental.pallas import tpu_sc as plsc

BATCH = 4096
MAX_LEN = 200
EMBED_DIM = 32
NUM_WORKERS = 32
EPW = BATCH // NUM_WORKERS
IDX_CHUNK = 100
LANES = 16
NBUF = 8
ROUNDS = EPW // NBUF
UNROLL = 4


TRANS_BLOCK = 16384


def _tc_transpose(emb_t):
    vocab = emb_t.shape[1]
    grid = pl.cdiv(vocab, TRANS_BLOCK)
    packed_rows = TRANS_BLOCK // 4

    def body(x_ref, o_ref, t_ref):
        t_ref[...] = x_ref[...].T
        o_ref[...] = jnp.concatenate(
            [t_ref[pl.Slice(k, packed_rows, 4), :] for k in range(4)], axis=1)

    packed = pl.pallas_call(
        body,
        grid=(grid,),
        in_specs=[pl.BlockSpec((EMBED_DIM, TRANS_BLOCK), lambda i: (0, i))],
        out_specs=pl.BlockSpec((packed_rows, 4 * EMBED_DIM), lambda i: (i, 0)),
        out_shape=jax.ShapeDtypeStruct((vocab // 4, 4 * EMBED_DIM), jnp.float32),
        scratch_shapes=[pltpu.VMEM((TRANS_BLOCK, EMBED_DIM), jnp.float32)],
    )(emb_t)
    return packed.reshape(vocab, EMBED_DIM)


def _sc_classify(xr, emb_table, w2):
    mesh = plsc.VectorSubcoreMesh(core_axis_name="c", subcore_axis_name="s")
    cp = pltpu.CompilerParams()
    for field, val in (("needs_layout_passes", False),
                       ("use_tc_tiling_on_sc", False)):
        if field in pltpu.CompilerParams.__dataclass_fields__:
            cp = dataclasses.replace(cp, **{field: val})

    @functools.partial(
        pl.kernel,
        out_type=jax.ShapeDtypeStruct((BATCH,), jnp.float32),
        mesh=mesh,
        compiler_params=cp,
        scratch_types=(
            [pltpu.VMEM((2 * EPW, IDX_CHUNK), jnp.int32)]
            + [pltpu.VMEM((MAX_LEN, EMBED_DIM), jnp.float32)
               for _ in range(NBUF)]
            + [pltpu.VMEM((MAX_LEN, EMBED_DIM), jnp.float32)]
            + [pltpu.VMEM((EPW,), jnp.float32)]
            + [pltpu.SemaphoreType.DMA for _ in range(NBUF)]
        ),
    )
    def k(x_hbm, emb_hbm, w_hbm, out_hbm, idx_v, *scr):
        rows = scr[:NBUF]
        w_v = scr[NBUF]
        acc_v = scr[NBUF + 1]
        sems = scr[NBUF + 2:]
        wid = lax.axis_index("c") * 16 + lax.axis_index("s")
        pltpu.sync_copy(x_hbm.at[pl.ds(wid * (2 * EPW), 2 * EPW)], idx_v)
        pltpu.sync_copy(w_hbm, w_v)
        lanes = lax.iota(jnp.int32, LANES)

        def issue(e, b):
            pltpu.async_copy(emb_hbm.at[idx_v.at[2 * e]],
                             rows[b].at[pl.ds(0, IDX_CHUNK)], sems[b])
            pltpu.async_copy(emb_hbm.at[idx_v.at[2 * e + 1]],
                             rows[b].at[pl.ds(IDX_CHUNK, IDX_CHUNK)], sems[b])

        def wait(b):
            pltpu.make_async_copy(emb_hbm.at[pl.ds(0, IDX_CHUNK)],
                                  rows[b].at[pl.ds(0, IDX_CHUNK)],
                                  sems[b]).wait()
            pltpu.make_async_copy(emb_hbm.at[pl.ds(0, IDX_CHUNK)],
                                  rows[b].at[pl.ds(IDX_CHUNK, IDX_CHUNK)],
                                  sems[b]).wait()

        for b in range(NBUF):
            issue(b, b)

        def round_body(r, res):
            for b in range(NBUF):
                elem = r * NBUF + b
                wait(b)

                @pl.when(r < ROUNDS - 1)
                def _():
                    issue(elem + NBUF, b)

                def body(l4, accs):
                    a0, a1 = accs
                    for kk in range(UNROLL):
                        l = l4 * UNROLL + kk
                        a0 = a0 + rows[b][l, pl.ds(0, LANES)] * w_v[l, pl.ds(0, LANES)]
                        a1 = a1 + rows[b][l, pl.ds(LANES, LANES)] * w_v[l, pl.ds(LANES, LANES)]
                    return (a0, a1)

                a0, a1 = lax.fori_loop(
                    0, MAX_LEN // UNROLL, body,
                    (jnp.zeros(LANES, jnp.float32),
                     jnp.zeros(LANES, jnp.float32)))
                s = jnp.sum(a0 + a1)
                res = jnp.where(lanes == (r % 2) * NBUF + b, s, res)

            @pl.when(r % 2 == 1)
            def _():
                off = pl.multiple_of((r // 2) * (2 * NBUF), 2 * NBUF)
                acc_v[pl.ds(off, LANES)] = res

            return jnp.where(r % 2 == 1, jnp.zeros_like(res), res)

        lax.fori_loop(0, ROUNDS, round_body, jnp.zeros(LANES, jnp.float32))
        pltpu.sync_copy(acc_v, out_hbm.at[pl.ds(wid * EPW, EPW)])

    return k(xr, emb_table, w2)


@jax.jit
def kernel(x, emb_table, W, b):
    xr = x.reshape(2 * BATCH, IDX_CHUNK).astype(jnp.int32)
    w2 = W.reshape(MAX_LEN, EMBED_DIM)
    emb_rm = _tc_transpose(emb_table.T)
    out = _sc_classify(xr, emb_rm, w2)
    return out.reshape(BATCH, 1) + b

# --- scband reference (transcript-rebuilt; emitter-appended) ---
"""Pipeline reference for scband-text-classifier-29180007809799 (READ-ONLY COPY).

The authoritative reference and input builder live on the scoring server;
editing this copy changes nothing except your own understanding.
"""

import jax, jax.numpy as jnp
import numpy as np

VOCAB = 1000000
EMBED_DIM = 32
MAX_LEN = 200
BATCH = 4096


def setup_inputs(seed: int = 0) -> dict:
    key = jax.random.key(seed)
    k1, k2, k3, k4 = jax.random.split(key, 4)
    x = jax.random.randint(k1, (BATCH, MAX_LEN), 0, VOCAB, dtype=jnp.int64 if jax.config.jax_enable_x64 else jnp.int32)
    emb_table = jax.random.normal(k2, (VOCAB, EMBED_DIM), dtype=jnp.float32) * 0.02
    in_feat = EMBED_DIM * MAX_LEN
    bound = 1.0 / np.sqrt(in_feat)
    W = jax.random.uniform(k3, (in_feat, 1), dtype=jnp.float32, minval=-bound, maxval=bound)
    b = jax.random.uniform(k4, (1,), dtype=jnp.float32, minval=-bound, maxval=bound)
    return {"x": x, "emb_table": emb_table, "W": W, "b": b}


def reference(x, emb_table, W, b):
    # nn.Embedding -> gather
    e = jnp.take(emb_table, x, axis=0)            # [B, L, D]
    # nn.Flatten
    flat = e.reshape(e.shape[0], -1)              # [B, L*D]
    # nn.Linear(embedding_dim * max_len, 1)
    out = flat @ W + b                            # [B, 1]
    return out

if __name__ == "__main__":
    import jax
    _d = setup_inputs()
    print(jax.jit(kernel)(*tuple(_d.values())))

</pallas_src>

<mosaic_0001>
#map = affine_map<(d0, d1) -> (0, 0)>
#map1 = affine_map<(d0, d1) -> (0)>
module attributes {stable_mosaic.version = 14 : i64} {
  func.func @k(%arg0: i32, %arg1: i32, %arg2: memref<8192x100xi32, #tpu.memory_space<hbm>>, %arg3: memref<1000000x32xf32, #tpu.memory_space<hbm>>, %arg4: memref<200x32xf32, #tpu.memory_space<hbm>>, %arg5: memref<4096xf32, #tpu.memory_space<hbm>>, %arg6: memref<256x100xi32, #tpu.memory_space<vmem>>, %arg7: memref<200x32xf32, #tpu.memory_space<vmem>>, %arg8: memref<200x32xf32, #tpu.memory_space<vmem>>, %arg9: memref<200x32xf32, #tpu.memory_space<vmem>>, %arg10: memref<200x32xf32, #tpu.memory_space<vmem>>, %arg11: memref<200x32xf32, #tpu.memory_space<vmem>>, %arg12: memref<200x32xf32, #tpu.memory_space<vmem>>, %arg13: memref<200x32xf32, #tpu.memory_space<vmem>>, %arg14: memref<200x32xf32, #tpu.memory_space<vmem>>, %arg15: memref<200x32xf32, #tpu.memory_space<vmem>>, %arg16: memref<128xf32, #tpu.memory_space<vmem>>, %arg17: memref<!tpu.dma_semaphore, #tpu.memory_space<semaphore_mem>>, %arg18: memref<!tpu.dma_semaphore, #tpu.memory_space<semaphore_mem>>, %arg19: memref<!tpu.dma_semaphore, #tpu.memory_space<semaphore_mem>>, %arg20: memref<!tpu.dma_semaphore, #tpu.memory_space<semaphore_mem>>, %arg21: memref<!tpu.dma_semaphore, #tpu.memory_space<semaphore_mem>>, %arg22: memref<!tpu.dma_semaphore, #tpu.memory_space<semaphore_mem>>, %arg23: memref<!tpu.dma_semaphore, #tpu.memory_space<semaphore_mem>>, %arg24: memref<!tpu.dma_semaphore, #tpu.memory_space<semaphore_mem>>) attributes {dimension_semantics = [#tpu.dimension_semantics<core_parallel>, #tpu.dimension_semantics<subcore_parallel>], iteration_bounds = array<i64: 2, 16>, scalar_prefetch = 0 : i64, scratch_operands = 19 : i64, tpu.core_type = #tpu.core_type<sc_vector_subcore>, window_params = [{transform_indices = #map}, {transform_indices = #map}, {transform_indices = #map}, {transform_indices = #map1}]} {
    %mul3A = arith.constant 16 : i32
    %mul3A_0 = arith.muli %arg0, %mul3A : i32
    %add3A = arith.addi %mul3A_0, %arg1 : i32
    %mul3A_1 = arith.constant 256 : i32
    %mul3A_2 = arith.muli %add3A, %mul3A_1 : i32
    "tpu.region"() ({
      %run_scoped3A = tpu.sem_alloc : memref<!tpu.dma_semaphore, #tpu.memory_space<semaphore_mem>>
      %dma_start3A_170 = arith.constant 0 : i32
      %dma_start3A_171 = tpu.memref_slice %arg2[%mul3A_2, %dma_start3A_170] : memref<8192x100xi32, #tpu.memory_space<hbm>> -> memref<256x100xi32, #tpu.memory_space<hbm>>
      %dma_start3A_172 = arith.constant 0 : i32
      %dma_start3A_173 = tpu.memref_slice %arg2[%mul3A_2, %dma_start3A_172] : memref<8192x100xi32, #tpu.memory_space<hbm>> -> memref<256x100xi32, #tpu.memory_space<hbm>>
      tpu.enqueue_dma source(%dma_start3A_173 : memref<256x100xi32, #tpu.memory_space<hbm>>) target(%arg6 : memref<256x100xi32, #tpu.memory_space<vmem>>) target_semaphore(%run_scoped3A : memref<!tpu.dma_semaphore, #tpu.memory_space<semaphore_mem>>)
      %dma_wait3A = arith.constant 0 : i32
      %dma_wait3A_174 = tpu.memref_slice %arg2[%mul3A_2, %dma_wait3A] : memref<8192x100xi32, #tpu.memory_space<hbm>> -> memref<256x100xi32, #tpu.memory_space<hbm>>
      %dma_wait3A_175 = arith.constant 0 : i32
      %dma_wait3A_176 = tpu.memref_slice %arg2[%mul3A_2, %dma_wait3A_175] : memref<8192x100xi32, #tpu.memory_space<hbm>> -> memref<256x100xi32, #tpu.memory_space<hbm>>
      tpu.wait_dma2 semaphore(%run_scoped3A : memref<!tpu.dma_semaphore, #tpu.memory_space<semaphore_mem>>) src(%dma_wait3A_176 : memref<256x100xi32, #tpu.memory_space<hbm>>) dst(%arg6 : memref<256x100xi32, #tpu.memory_space<vmem>>)
      tpu.yield
    }) : () -> ()
    "tpu.region"() ({
      %run_scoped3A = tpu.sem_alloc : memref<!tpu.dma_semaphore, #tpu.memory_space<semaphore_mem>>
      tpu.enqueue_dma source(%arg4 : memref<200x32xf32, #tpu.memory_space<hbm>>) target(%arg15 : memref<200x32xf32, #tpu.memory_space<vmem>>) target_semaphore(%run_scoped3A : memref<!tpu.dma_semaphore, #tpu.memory_space<semaphore_mem>>)
      tpu.wait_dma2 semaphore(%run_scoped3A : memref<!tpu.dma_semaphore, #tpu.memory_space<semaphore_mem>>) src(%arg4 : memref<200x32xf32, #tpu.memory_space<hbm>>) dst(%arg15 : memref<200x32xf32, #tpu.memory_space<vmem>>)
      tpu.yield
    }) : () -> ()
    %iota3A = tpu.iota {dimensions = array<i32: 0>} : vector<16xi32>
    %dma_start3A = arith.constant 0 : i32
    %dma_start3A_3 = arith.constant 0 : i32
    %dma_start3A_4 = arith.constant 0 : i32
    %dma_start3A_5 = tpu.memref_slice %arg7[%dma_start3A_3, %dma_start3A_4] : memref<200x32xf32, #tpu.memory_space<vmem>> -> memref<100x32xf32, #tpu.memory_space<vmem>>
    %dma_start3A_6 = arith.constant 0 : i32
    %dma_start3A_7 = tpu.memref_slice %arg6[%dma_start3A, %dma_start3A_6] : memref<256x100xi32, #tpu.memory_space<vmem>> -> memref<1x100xi32, #tpu.memory_space<vmem>>
    %dma_start3A_8 = tpu.memref_squeeze %dma_start3A_7 : memref<1x100xi32, #tpu.memory_space<vmem>> -> memref<100xi32, #tpu.memory_space<vmem>>
    %dma_start3A_9 = arith.constant 0 : i32
    %dma_start3A_10 = arith.constant 0 : i32
    %dma_start3A_11 = tpu.memref_slice %arg3[%dma_start3A_9, %dma_start3A_10] : memref<1000000x32xf32, #tpu.memory_space<hbm>> -> memref<1000000x32xf32, #tpu.memory_space<hbm>>
    tpu.enqueue_indirect_dma source(%dma_start3A_11 : memref<1000000x32xf32, #tpu.memory_space<hbm>>) target(%dma_start3A_5 : memref<100x32xf32, #tpu.memory_space<vmem>>) offsets(%dma_start3A_8 : memref<100xi32, #tpu.memory_space<vmem>>) semaphore(%arg17 : memref<!tpu.dma_semaphore, #tpu.memory_space<semaphore_mem>>)
    %dma_start3A_12 = arith.constant 1 : i32
    %dma_start3A_13 = arith.constant 100 : i32
    %dma_start3A_14 = arith.constant 0 : i32
    %dma_start3A_15 = tpu.memref_slice %arg7[%dma_start3A_13, %dma_start3A_14] : memref<200x32xf32, #tpu.memory_space<vmem>> -> memref<100x32xf32, #tpu.memory_space<vmem>>
    %dma_start3A_16 = arith.constant 0 : i32
    %dma_start3A_17 = tpu.memref_slice %arg6[%dma_start3A_12, %dma_start3A_16] : memref<256x100xi32, #tpu.memory_space<vmem>> -> memref<1x100xi32, #tpu.memory_space<vmem>>
    %dma_start3A_18 = tpu.memref_squeeze %dma_start3A_17 : memref<1x100xi32, #tpu.memory_space<vmem>> -> memref<100xi32, #tpu.memory_space<vmem>>
    %dma_start3A_19 = arith.constant 0 : i32
    %dma_start3A_20 = arith.constant 0 : i32
    %dma_start3A_21 = tpu.memref_slice %arg3[%dma_start3A_19, %dma_start3A_20] : memref<1000000x32xf32, #tpu.memory_space<hbm>> -> memref<1000000x32xf32, #tpu.memory_space<hbm>>
    tpu.enqueue_indirect_dma source(%dma_start3A_21 : memref<1000000x32xf32, #tpu.memory_space<hbm>>) target(%dma_start3A_15 : memref<100x32xf32, #tpu.memory_space<vmem>>) offsets(%dma_start3A_18 : memref<100xi32, #tpu.memory_space<vmem>>) semaphore(%arg17 : memref<!tpu.dma_semaphore, #tpu.memory_space<semaphore_mem>>)
    %dma_start3A_22 = arith.constant 2 : i32
    %dma_start3A_23 = arith.constant 0 : i32
    %dma_start3A_24 = arith.constant 0 : i32
    %dma_start3A_25 = tpu.memref_slice %arg8[%dma_start3A_23, %dma_start3A_24] : memref<200x32xf32, #tpu.memory_space<vmem>> -> memref<100x32xf32, #tpu.memory_space<vmem>>
    %dma_start3A_26 = arith.constant 0 : i32
    %dma_start3A_27 = tpu.memref_slice %arg6[%dma_start3A_22, %dma_start3A_26] : memref<256x100xi32, #tpu.memory_space<vmem>> -> memref<1x100xi32, #tpu.memory_space<vmem>>
    %dma_start3A_28 = tpu.memref_squeeze %dma_start3A_27 : memref<1x100xi32, #tpu.memory_space<vmem>> -> memref<100xi32, #tpu.memory_space<vmem>>
    %dma_start3A_29 = arith.constant 0 : i32
    %dma_start3A_30 = arith.constant 0 : i32
    %dma_start3A_31 = tpu.memref_slice %arg3[%dma_start3A_29, %dma_start3A_30] : memref<1000000x32xf32, #tpu.memory_space<hbm>> -> memref<1000000x32xf32, #tpu.memory_space<hbm>>
    tpu.enqueue_indirect_dma source(%dma_start3A_31 : memref<1000000x32xf32, #tpu.memory_space<hbm>>) target(%dma_start3A_25 : memref<100x32xf32, #tpu.memory_space<vmem>>) offsets(%dma_start3A_28 : memref<100xi32, #tpu.memory_space<vmem>>) semaphore(%arg18 : memref<!tpu.dma_semaphore, #tpu.memory_space<semaphore_mem>>)
    %dma_start3A_32 = arith.constant 3 : i32
    %dma_start3A_33 = arith.constant 100 : i32
    %dma_start3A_34 = arith.constant 0 : i32
    %dma_start3A_35 = tpu.memref_slice %arg8[%dma_start3A_33, %dma_start3A_34] : memref<200x32xf32, #tpu.memory_space<vmem>> -> memref<100x32xf32, #tpu.memory_space<vmem>>
    %dma_start3A_36 = arith.constant 0 : i32
    %dma_start3A_37 = tpu.memref_slice %arg6[%dma_start3A_32, %dma_start3A_36] : memref<256x100xi32, #tpu.memory_space<vmem>> -> memref<1x100xi32, #tpu.memory_space<vmem>>
    %dma_start3A_38 = tpu.memref_squeeze %dma_start3A_37 : memref<1x100xi32, #tpu.memory_space<vmem>> -> memref<100xi32, #tpu.memory_space<vmem>>
    %dma_start3A_39 = arith.constant 0 : i32
    %dma_start3A_40 = arith.constant 0 : i32
    %dma_start3A_41 = tpu.memref_slice %arg3[%dma_start3A_39, %dma_start3A_40] : memref<1000000x32xf32, #tpu.memory_space<hbm>> -> memref<1000000x32xf32, #tpu.memory_space<hbm>>
    tpu.enqueue_indirect_dma source(%dma_start3A_41 : memref<1000000x32xf32, #tpu.memory_space<hbm>>) target(%dma_start3A_35 : memref<100x32xf32, #tpu.memory_space<vmem>>) offsets(%dma_start3A_38 : memref<100xi32, #tpu.memory_space<vmem>>) semaphore(%arg18 : memref<!tpu.dma_semaphore, #tpu.memory_space<semaphore_mem>>)
    %dma_start3A_42 = arith.constant 4 : i32
    %dma_start3A_43 = arith.constant 0 : i32
    %dma_start3A_44 = arith.constant 0 : i32
    %dma_start3A_45 = tpu.memref_slice %arg9[%dma_start3A_43, %dma_start3A_44] : memref<200x32xf32, #tpu.memory_space<vmem>> -> memref<100x32xf32, #tpu.memory_space<vmem>>
    %dma_start3A_46 = arith.constant 0 : i32
    %dma_start3A_47 = tpu.memref_slice %arg6[%dma_start3A_42, %dma_start3A_46] : memref<256x100xi32, #tpu.memory_space<vmem>> -> memref<1x100xi32, #tpu.memory_space<vmem>>
    %dma_start3A_48 = tpu.memref_squeeze %dma_start3A_47 : memref<1x100xi32, #tpu.memory_space<vmem>> -> memref<100xi32, #tpu.memory_space<vmem>>
    %dma_start3A_49 = arith.constant 0 : i32
    %dma_start3A_50 = arith.constant 0 : i32
    %dma_start3A_51 = tpu.memref_slice %arg3[%dma_start3A_49, %dma_start3A_50] : memref<1000000x32xf32, #tpu.memory_space<hbm>> -> memref<1000000x32xf32, #tpu.memory_space<hbm>>
    tpu.enqueue_indirect_dma source(%dma_start3A_51 : memref<1000000x32xf32, #tpu.memory_space<hbm>>) target(%dma_start3A_45 : memref<100x32xf32, #tpu.memory_space<vmem>>) offsets(%dma_start3A_48 : memref<100xi32, #tpu.memory_space<vmem>>) semaphore(%arg19 : memref<!tpu.dma_semaphore, #tpu.memory_space<semaphore_mem>>)
    %dma_start3A_52 = arith.constant 5 : i32
    %dma_start3A_53 = arith.constant 100 : i32
    %dma_start3A_54 = arith.constant 0 : i32
    %dma_start3A_55 = tpu.memref_slice %arg9[%dma_start3A_53, %dma_start3A_54] : memref<200x32xf32, #tpu.memory_space<vmem>> -> memref<100x32xf32, #tpu.memory_space<vmem>>
    %dma_start3A_56 = arith.constant 0 : i32
    %dma_start3A_57 = tpu.memref_slice %arg6[%dma_start3A_52, %dma_start3A_56] : memref<256x100xi32, #tpu.memory_space<vmem>> -> memref<1x100xi32, #tpu.memory_space<vmem>>
    %dma_start3A_58 = tpu.memref_squeeze %dma_start3A_57 : memref<1x100xi32, #tpu.memory_space<vmem>> -> memref<100xi32, #tpu.memory_space<vmem>>
    %dma_start3A_59 = arith.constant 0 : i32
    %dma_start3A_60 = arith.constant 0 : i32
    %dma_start3A_61 = tpu.memref_slice %arg3[%dma_start3A_59, %dma_start3A_60] : memref<1000000x32xf32, #tpu.memory_space<hbm>> -> memref<1000000x32xf32, #tpu.memory_space<hbm>>
    tpu.enqueue_indirect_dma source(%dma_start3A_61 : memref<1000000x32xf32, #tpu.memory_space<hbm>>) target(%dma_start3A_55 : memref<100x32xf32, #tpu.memory_space<vmem>>) offsets(%dma_start3A_58 : memref<100xi32, #tpu.memory_space<vmem>>) semaphore(%arg19 : memref<!tpu.dma_semaphore, #tpu.memory_space<semaphore_mem>>)
    %dma_start3A_62 = arith.constant 6 : i32
    %dma_start3A_63 = arith.constant 0 : i32
    %dma_start3A_64 = arith.constant 0 : i32
    %dma_start3A_65 = tpu.memref_slice %arg10[%dma_start3A_63, %dma_start3A_64] : memref<200x32xf32, #tpu.memory_space<vmem>> -> memref<100x32xf32, #tpu.memory_space<vmem>>
    %dma_start3A_66 = arith.constant 0 : i32
    %dma_start3A_67 = tpu.memref_slice %arg6[%dma_start3A_62, %dma_start3A_66] : memref<256x100xi32, #tpu.memory_space<vmem>> -> memref<1x100xi32, #tpu.memory_space<vmem>>
    %dma_start3A_68 = tpu.memref_squeeze %dma_start3A_67 : memref<1x100xi32, #tpu.memory_space<vmem>> -> memref<100xi32, #tpu.memory_space<vmem>>
    %dma_start3A_69 = arith.constant 0 : i32
    %dma_start3A_70 = arith.constant 0 : i32
    %dma_start3A_71 = tpu.memref_slice %arg3[%dma_start3A_69, %dma_start3A_70] : memref<1000000x32xf32, #tpu.memory_space<hbm>> -> memref<1000000x32xf32, #tpu.memory_space<hbm>>
    tpu.enqueue_indirect_dma source(%dma_start3A_71 : memref<1000000x32xf32, #tpu.memory_space<hbm>>) target(%dma_start3A_65 : memref<100x32xf32, #tpu.memory_space<vmem>>) offsets(%dma_start3A_68 : memref<100xi32, #tpu.memory_space<vmem>>) semaphore(%arg20 : memref<!tpu.dma_semaphore, #tpu.memory_space<semaphore_mem>>)
    %dma_start3A_72 = arith.constant 7 : i32
    %dma_start3A_73 = arith.constant 100 : i32
    %dma_start3A_74 = arith.constant 0 : i32
    %dma_start3A_75 = tpu.memref_slice %arg10[%dma_start3A_73, %dma_start3A_74] : memref<200x32xf32, #tpu.memory_space<vmem>> -> memref<100x32xf32, #tpu.memory_space<vmem>>
    %dma_start3A_76 = arith.constant 0 : i32
    %dma_start3A_77 = tpu.memref_slice %arg6[%dma_start3A_72, %dma_start3A_76] : memref<256x100xi32, #tpu.memory_space<vmem>> -> memref<1x100xi32, #tpu.memory_space<vmem>>
    %dma_start3A_78 = tpu.memref_squeeze %dma_start3A_77 : memref<1x100xi32, #tpu.memory_space<vmem>> -> memref<100xi32, #tpu.memory_space<vmem>>
    %dma_start3A_79 = arith.constant 0 : i32
    %dma_start3A_80 = arith.constant 0 : i32
    %dma_start3A_81 = tpu.memref_slice %arg3[%dma_start3A_79, %dma_start3A_80] : memref<1000000x32xf32, #tpu.memory_space<hbm>> -> memref<1000000x32xf32, #tpu.memory_space<hbm>>
    tpu.enqueue_indirect_dma source(%dma_start3A_81 : memref<1000000x32xf32, #tpu.memory_space<hbm>>) target(%dma_start3A_75 : memref<100x32xf32, #tpu.memory_space<vmem>>) offsets(%dma_start3A_78 : memref<100xi32, #tpu.memory_space<vmem>>) semaphore(%arg20 : memref<!tpu.dma_semaphore, #tpu.memory_space<semaphore_mem>>)
    %dma_start3A_82 = arith.constant 8 : i32
    %dma_start3A_83 = arith.constant 0 : i32
    %dma_start3A_84 = arith.constant 0 : i32
    %dma_start3A_85 = tpu.memref_slice %arg11[%dma_start3A_83, %dma_start3A_84] : memref<200x32xf32, #tpu.memory_space<vmem>> -> memref<100x32xf32, #tpu.memory_space<vmem>>
    %dma_start3A_86 = arith.constant 0 : i32
    %dma_start3A_87 = tpu.memref_slice %arg6[%dma_start3A_82, %dma_start3A_86] : memref<256x100xi32, #tpu.memory_space<vmem>> -> memref<1x100xi32, #tpu.memory_space<vmem>>
    %dma_start3A_88 = tpu.memref_squeeze %dma_start3A_87 : memref<1x100xi32, #tpu.memory_space<vmem>> -> memref<100xi32, #tpu.memory_space<vmem>>
    %dma_start3A_89 = arith.constant 0 : i32
    %dma_start3A_90 = arith.constant 0 : i32
    %dma_start3A_91 = tpu.memref_slice %arg3[%dma_start3A_89, %dma_start3A_90] : memref<1000000x32xf32, #tpu.memory_space<hbm>> -> memref<1000000x32xf32, #tpu.memory_space<hbm>>
    tpu.enqueue_indirect_dma source(%dma_start3A_91 : memref<1000000x32xf32, #tpu.memory_space<hbm>>) target(%dma_start3A_85 : memref<100x32xf32, #tpu.memory_space<vmem>>) offsets(%dma_start3A_88 : memref<100xi32, #tpu.memory_space<vmem>>) semaphore(%arg21 : memref<!tpu.dma_semaphore, #tpu.memory_space<semaphore_mem>>)
    %dma_start3A_92 = arith.constant 9 : i32
    %dma_start3A_93 = arith.constant 100 : i32
    %dma_start3A_94 = arith.constant 0 : i32
    %dma_start3A_95 = tpu.memref_slice %arg11[%dma_start3A_93, %dma_start3A_94] : memref<200x32xf32, #tpu.memory_space<vmem>> -> memref<100x32xf32, #tpu.memory_space<vmem>>
    %dma_start3A_96 = arith.constant 0 : i32
    %dma_start3A_97 = tpu.memref_slice %arg6[%dma_start3A_92, %dma_start3A_96] : memref<256x100xi32, #tpu.memory_space<vmem>> -> memref<1x100xi32, #tpu.memory_space<vmem>>
    %dma_start3A_98 = tpu.memref_squeeze %dma_start3A_97 : memref<1x100xi32, #tpu.memory_space<vmem>> -> memref<100xi32, #tpu.memory_space<vmem>>
    %dma_start3A_99 = arith.constant 0 : i32
    %dma_start3A_100 = arith.constant 0 : i32
    %dma_start3A_101 = tpu.memref_slice %arg3[%dma_start3A_99, %dma_start3A_100] : memref<1000000x32xf32, #tpu.memory_space<hbm>> -> memref<1000000x32xf32, #tpu.memory_space<hbm>>
    tpu.enqueue_indirect_dma source(%dma_start3A_101 : memref<1000000x32xf32, #tpu.memory_space<hbm>>) target(%dma_start3A_95 : memref<100x32xf32, #tpu.memory_space<vmem>>) offsets(%dma_start3A_98 : memref<100xi32, #tpu.memory_space<vmem>>) semaphore(%arg21 : memref<!tpu.dma_semaphore, #tpu.memory_space<semaphore_mem>>)
    %dma_start3A_102 = arith.constant 10 : i32
    %dma_start3A_103 = arith.constant 0 : i32
    %dma_start3A_104 = arith.constant 0 : i32
    %dma_start3A_105 = tpu.memref_slice %arg12[%dma_start3A_103, %dma_start3A_104] : memref<200x32xf32, #tpu.memory_space<vmem>> -> memref<100x32xf32, #tpu.memory_space<vmem>>
    %dma_start3A_106 = arith.constant 0 : i32
    %dma_start3A_107 = tpu.memref_slice %arg6[%dma_start3A_102, %dma_start3A_106] : memref<256x100xi32, #tpu.memory_space<vmem>> -> memref<1x100xi32, #tpu.memory_space<vmem>>
    %dma_start3A_108 = tpu.memref_squeeze %dma_start3A_107 : memref<1x100xi32, #tpu.memory_space<vmem>> -> memref<100xi32, #tpu.memory_space<vmem>>
    %dma_start3A_109 = arith.constant 0 : i32
    %dma_start3A_110 = arith.constant 0 : i32
    %dma_start3A_111 = tpu.memref_slice %arg3[%dma_start3A_109, %dma_start3A_110] : memref<1000000x32xf32, #tpu.memory_space<hbm>> -> memref<1000000x32xf32, #tpu.memory_space<hbm>>
    tpu.enqueue_indirect_dma source(%dma_start3A_111 : memref<1000000x32xf32, #tpu.memory_space<hbm>>) target(%dma_start3A_105 : memref<100x32xf32, #tpu.memory_space<vmem>>) offsets(%dma_start3A_108 : memref<100xi32, #tpu.memory_space<vmem>>) semaphore(%arg22 : memref<!tpu.dma_semaphore, #tpu.memory_space<semaphore_mem>>)
    %dma_start3A_112 = arith.constant 11 : i32
    %dma_start3A_113 = arith.constant 100 : i32
    %dma_start3A_114 = arith.constant 0 : i32
    %dma_start3A_115 = tpu.memref_slice %arg12[%dma_start3A_113, %dma_start3A_114] : memref<200x32xf32, #tpu.memory_space<vmem>> -> memref<100x32xf32, #tpu.memory_space<vmem>>
    %dma_start3A_116 = arith.constant 0 : i32
    %dma_start3A_117 = tpu.memref_slice %arg6[%dma_start3A_112, %dma_start3A_116] : memref<256x100xi32, #tpu.memory_space<vmem>> -> memref<1x100xi32, #tpu.memory_space<vmem>>
    %dma_start3A_118 = tpu.memref_squeeze %dma_start3A_117 : memref<1x100xi32, #tpu.memory_space<vmem>> -> memref<100xi32, #tpu.memory_space<vmem>>
    %dma_start3A_119 = arith.constant 0 : i32
    %dma_start3A_120 = arith.constant 0 : i32
    %dma_start3A_121 = tpu.memref_slice %arg3[%dma_start3A_119, %dma_start3A_120] : memref<1000000x32xf32, #tpu.memory_space<hbm>> -> memref<1000000x32xf32, #tpu.memory_space<hbm>>
    tpu.enqueue_indirect_dma source(%dma_start3A_121 : memref<1000000x32xf32, #tpu.memory_space<hbm>>) target(%dma_start3A_115 : memref<100x32xf32, #tpu.memory_space<vmem>>) offsets(%dma_start3A_118 : memref<100xi32, #tpu.memory_space<vmem>>) semaphore(%arg22 : memref<!tpu.dma_semaphore, #tpu.memory_space<semaphore_mem>>)
    %dma_start3A_122 = arith.constant 12 : i32
    %dma_start3A_123 = arith.constant 0 : i32
    %dma_start3A_124 = arith.constant 0 : i32
    %dma_start3A_125 = tpu.memref_slice %arg13[%dma_start3A_123, %dma_start3A_124] : memref<200x32xf32, #tpu.memory_space<vmem>> -> memref<100x32xf32, #tpu.memory_space<vmem>>
    %dma_start3A_126 = arith.constant 0 : i32
    %dma_start3A_127 = tpu.memref_slice %arg6[%dma_start3A_122, %dma_start3A_126] : memref<256x100xi32, #tpu.memory_space<vmem>> -> memref<1x100xi32, #tpu.memory_space<vmem>>
    %dma_start3A_128 = tpu.memref_squeeze %dma_start3A_127 : memref<1x100xi32, #tpu.memory_space<vmem>> -> memref<100xi32, #tpu.memory_space<vmem>>
    %dma_start3A_129 = arith.constant 0 : i32
    %dma_start3A_130 = arith.constant 0 : i32
    %dma_start3A_131 = tpu.memref_slice %arg3[%dma_start3A_129, %dma_start3A_130] : memref<1000000x32xf32, #tpu.memory_space<hbm>> -> memref<1000000x32xf32, #tpu.memory_space<hbm>>
    tpu.enqueue_indirect_dma source(%dma_start3A_131 : memref<1000000x32xf32, #tpu.memory_space<hbm>>) target(%dma_start3A_125 : memref<100x32xf32, #tpu.memory_space<vmem>>) offsets(%dma_start3A_128 : memref<100xi32, #tpu.memory_space<vmem>>) semaphore(%arg23 : memref<!tpu.dma_semaphore, #tpu.memory_space<semaphore_mem>>)
    %dma_start3A_132 = arith.constant 13 : i32
    %dma_start3A_133 = arith.constant 100 : i32
    %dma_start3A_134 = arith.constant 0 : i32
    %dma_start3A_135 = tpu.memref_slice %arg13[%dma_start3A_133, %dma_start3A_134] : memref<200x32xf32, #tpu.memory_space<vmem>> -> memref<100x32xf32, #tpu.memory_space<vmem>>
    %dma_start3A_136 = arith.constant 0 : i32
    %dma_start3A_137 = tpu.memref_slice %arg6[%dma_start3A_132, %dma_start3A_136] : memref<256x100xi32, #tpu.memory_space<vmem>> -> memref<1x100xi32, #tpu.memory_space<vmem>>
    %dma_start3A_138 = tpu.memref_squeeze %dma_start3A_137 : memref<1x100xi32, #tpu.memory_space<vmem>> -> memref<100xi32, #tpu.memory_space<vmem>>
    %dma_start3A_139 = arith.constant 0 : i32
    %dma_start3A_140 = arith.constant 0 : i32
    %dma_start3A_141 = tpu.memref_slice %arg3[%dma_start3A_139, %dma_start3A_140] : memref<1000000x32xf32, #tpu.memory_space<hbm>> -> memref<1000000x32xf32, #tpu.memory_space<hbm>>
    tpu.enqueue_indirect_dma source(%dma_start3A_141 : memref<1000000x32xf32, #tpu.memory_space<hbm>>) target(%dma_start3A_135 : memref<100x32xf32, #tpu.memory_space<vmem>>) offsets(%dma_start3A_138 : memref<100xi32, #tpu.memory_space<vmem>>) semaphore(%arg23 : memref<!tpu.dma_semaphore, #tpu.memory_space<semaphore_mem>>)
    %dma_start3A_142 = arith.constant 14 : i32
    %dma_start3A_143 = arith.constant 0 : i32
    %dma_start3A_144 = arith.constant 0 : i32
    %dma_start3A_145 = tpu.memref_slice %arg14[%dma_start3A_143, %dma_start3A_144] : memref<200x32xf32, #tpu.memory_space<vmem>> -> memref<100x32xf32, #tpu.memory_space<vmem>>
    %dma_start3A_146 = arith.constant 0 : i32
    %dma_start3A_147 = tpu.memref_slice %arg6[%dma_start3A_142, %dma_start3A_146] : memref<256x100xi32, #tpu.memory_space<vmem>> -> memref<1x100xi32, #tpu.memory_space<vmem>>
    %dma_start3A_148 = tpu.memref_squeeze %dma_start3A_147 : memref<1x100xi32, #tpu.memory_space<vmem>> -> memref<100xi32, #tpu.memory_space<vmem>>
    %dma_start3A_149 = arith.constant 0 : i32
    %dma_start3A_150 = arith.constant 0 : i32
    %dma_start3A_151 = tpu.memref_slice %arg3[%dma_start3A_149, %dma_start3A_150] : memref<1000000x32xf32, #tpu.memory_space<hbm>> -> memref<1000000x32xf32, #tpu.memory_space<hbm>>
    tpu.enqueue_indirect_dma source(%dma_start3A_151 : memref<1000000x32xf32, #tpu.memory_space<hbm>>) target(%dma_start3A_145 : memref<100x32xf32, #tpu.memory_space<vmem>>) offsets(%dma_start3A_148 : memref<100xi32, #tpu.memory_space<vmem>>) semaphore(%arg24 : memref<!tpu.dma_semaphore, #tpu.memory_space<semaphore_mem>>)
    %dma_start3A_152 = arith.constant 15 : i32
    %dma_start3A_153 = arith.constant 100 : i32
    %dma_start3A_154 = arith.constant 0 : i32
    %dma_start3A_155 = tpu.memref_slice %arg14[%dma_start3A_153, %dma_start3A_154] : memref<200x32xf32, #tpu.memory_space<vmem>> -> memref<100x32xf32, #tpu.memory_space<vmem>>
    %dma_start3A_156 = arith.constant 0 : i32
    %dma_start3A_157 = tpu.memref_slice %arg6[%dma_start3A_152, %dma_start3A_156] : memref<256x100xi32, #tpu.memory_space<vmem>> -> memref<1x100xi32, #tpu.memory_space<vmem>>
    %dma_start3A_158 = tpu.memref_squeeze %dma_start3A_157 : memref<1x100xi32, #tpu.memory_space<vmem>> -> memref<100xi32, #tpu.memory_space<vmem>>
    %dma_start3A_159 = arith.constant 0 : i32
    %dma_start3A_160 = arith.constant 0 : i32
    %dma_start3A_161 = tpu.memref_slice %arg3[%dma_start3A_159, %dma_start3A_160] : memref<1000000x32xf32, #tpu.memory_space<hbm>> -> memref<1000000x32xf32, #tpu.memory_space<hbm>>
    tpu.enqueue_indirect_dma source(%dma_start3A_161 : memref<1000000x32xf32, #tpu.memory_space<hbm>>) target(%dma_start3A_155 : memref<100x32xf32, #tpu.memory_space<vmem>>) offsets(%dma_start3A_158 : memref<100xi32, #tpu.memory_space<vmem>>) semaphore(%arg24 : memref<!tpu.dma_semaphore, #tpu.memory_space<semaphore_mem>>)
    %broadcast_in_dim3A = arith.constant 0.000000e+00 : f32
    %broadcast_in_dim3A_162 = vector.broadcast %broadcast_in_dim3A : f32 to vector<16xf32>
    %scan3A = arith.constant 0 : i32
    %scan3A_163 = arith.constant 16 : i32
    %scan3A_164 = arith.addi %scan3A, %scan3A_163 : i32
    %scan3A_165 = arith.constant 1 : i32
    %scan3A_166 = scf.for %scan3A_170 = %scan3A to %scan3A_164 step %scan3A_165 iter_args(%scan3A_171 = %broadcast_in_dim3A_162) -> (vector<16xf32>)  : i32 {
      %mul3A_172 = arith.constant 8 : i32
      %mul3A_173 = arith.muli %scan3A_170, %mul3A_172 : i32
      %add3A_174 = arith.constant 0 : i32
      %add3A_175 = arith.addi %mul3A_173, %add3A_174 : i32
      %dma_wait3A = arith.constant 0 : i32
      %dma_wait3A_176 = arith.constant 0 : i32
      %dma_wait3A_177 = tpu.memref_slice %arg7[%dma_wait3A, %dma_wait3A_176] : memref<200x32xf32, #tpu.memory_space<vmem>> -> memref<100x32xf32, #tpu.memory_space<vmem>>
      %dma_wait3A_178 = arith.constant 0 : i32
      %dma_wait3A_179 = arith.constant 0 : i32
      %dma_wait3A_180 = tpu.memref_slice %arg3[%dma_wait3A_178, %dma_wait3A_179] : memref<1000000x32xf32, #tpu.memory_space<hbm>> -> memref<100x32xf32, #tpu.memory_space<hbm>>
      %dma_wait3A_181 = arith.constant 0 : i32
      %dma_wait3A_182 = arith.constant 0 : i32
      %dma_wait3A_183 = tpu.memref_slice %arg7[%dma_wait3A_181, %dma_wait3A_182] : memref<200x32xf32, #tpu.memory_space<vmem>> -> memref<100x32xf32, #tpu.memory_space<vmem>>
      %dma_wait3A_184 = arith.constant 0 : i32
      %dma_wait3A_185 = arith.constant 0 : i32
      %dma_wait3A_186 = tpu.memref_slice %arg3[%dma_wait3A_184, %dma_wait3A_185] : memref<1000000x32xf32, #tpu.memory_space<hbm>> -> memref<100x32xf32, #tpu.memory_space<hbm>>
      tpu.wait_dma2 semaphore(%arg17 : memref<!tpu.dma_semaphore, #tpu.memory_space<semaphore_mem>>) src(%dma_wait3A_186 : memref<100x32xf32, #tpu.memory_space<hbm>>) dst(%dma_wait3A_183 : memref<100x32xf32, #tpu.memory_space<vmem>>)
      %dma_wait3A_187 = arith.constant 100 : i32
      %dma_wait3A_188 = arith.constant 0 : i32
      %dma_wait3A_189 = tpu.memref_slice %arg7[%dma_wait3A_187, %dma_wait3A_188] : memref<200x32xf32, #tpu.memory_space<vmem>> -> memref<100x32xf32, #tpu.memory_space<vmem>>
      %dma_wait3A_190 = arith.constant 0 : i32
      %dma_wait3A_191 = arith.constant 0 : i32
      %dma_wait3A_192 = tpu.memref_slice %arg3[%dma_wait3A_190, %dma_wait3A_191] : memref<1000000x32xf32, #tpu.memory_space<hbm>> -> memref<100x32xf32, #tpu.memory_space<hbm>>
      %dma_wait3A_193 = arith.constant 100 : i32
      %dma_wait3A_194 = arith.constant 0 : i32
      %dma_wait3A_195 = tpu.memref_slice %arg7[%dma_wait3A_193, %dma_wait3A_194] : memref<200x32xf32, #tpu.memory_space<vmem>> -> memref<100x32xf32, #tpu.memory_space<vmem>>
      %dma_wait3A_196 = arith.constant 0 : i32
      %dma_wait3A_197 = arith.constant 0 : i32
      %dma_wait3A_198 = tpu.memref_slice %arg3[%dma_wait3A_196, %dma_wait3A_197] : memref<1000000x32xf32, #tpu.memory_space<hbm>> -> memref<100x32xf32, #tpu.memory_space<hbm>>
      tpu.wait_dma2 semaphore(%arg17 : memref<!tpu.dma_semaphore, #tpu.memory_space<semaphore_mem>>) src(%dma_wait3A_198 : memref<100x32xf32, #tpu.memory_space<hbm>>) dst(%dma_wait3A_195 : memref<100x32xf32, #tpu.memory_space<vmem>>)
      %lt3A = arith.constant 15 : i32
      %lt3A_199 = arith.cmpi slt, %scan3A_170, %lt3A : i32
      %convert_element_type3A = arith.extui %lt3A_199 : i1 to i32
      %cond3A = arith.constant 0 : i32
      %cond3A_200 = arith.cmpi ne, %convert_element_type3A, %cond3A : i32
      scf.if %cond3A_200 {
        %add3A_779 = arith.constant 8 : i32
        %add3A_780 = arith.addi %add3A_175, %add3A_779 : i32
        %mul3A_781 = arith.constant 2 : i32
        %mul3A_782 = arith.muli %mul3A_781, %add3A_780 : i32
        %dma_start3A_783 = arith.constant 0 : i32
        %dma_start3A_784 = arith.constant 0 : i32
        %dma_start3A_785 = tpu.memref_slice %arg7[%dma_start3A_783, %dma_start3A_784] : memref<200x32xf32, #tpu.memory_space<vmem>> -> memref<100x32xf32, #tpu.memory_space<vmem>>
        %dma_start3A_786 = arith.constant 0 : i32
        %dma_start3A_787 = tpu.memref_slice %arg6[%mul3A_782, %dma_start3A_786] : memref<256x100xi32, #tpu.memory_space<vmem>> -> memref<1x100xi32, #tpu.memory_space<vmem>>
        %dma_start3A_788 = tpu.memref_squeeze %dma_start3A_787 : memref<1x100xi32, #tpu.memory_space<vmem>> -> memref<100xi32, #tpu.memory_space<vmem>>
        %dma_start3A_789 = arith.constant 0 : i32
        %dma_start3A_790 = arith.constant 0 : i32
        %dma_start3A_791 = tpu.memref_slice %arg3[%dma_start3A_789, %dma_start3A_790] : memref<1000000x32xf32, #tpu.memory_space<hbm>> -> memref<1000000x32xf32, #tpu.memory_space<hbm>>
        tpu.enqueue_indirect_dma source(%dma_start3A_791 : memref<1000000x32xf32, #tpu.memory_space<hbm>>) target(%dma_start3A_785 : memref<100x32xf32, #tpu.memory_space<vmem>>) offsets(%dma_start3A_788 : memref<100xi32, #tpu.memory_space<vmem>>) semaphore(%arg17 : memref<!tpu.dma_semaphore, #tpu.memory_space<semaphore_mem>>)
        %mul3A_792 = arith.constant 2 : i32
        %mul3A_793 = arith.muli %mul3A_792, %add3A_780 : i32
        %add3A_794 = arith.constant 1 : i32
        %add3A_795 = arith.addi %mul3A_793, %add3A_794 : i32
        %dma_start3A_796 = arith.constant 100 : i32
        %dma_start3A_797 = arith.constant 0 : i32
        %dma_start3A_798 = tpu.memref_slice %arg7[%dma_start3A_796, %dma_start3A_797] : memref<200x32xf32, #tpu.memory_space<vmem>> -> memref<100x32xf32, #tpu.memory_space<vmem>>
        %dma_start3A_799 = arith.constant 0 : i32
        %dma_start3A_800 = tpu.memref_slice %arg6[%add3A_795, %dma_start3A_799] : memref<256x100xi32, #tpu.memory_space<vmem>> -> memref<1x100xi32, #tpu.memory_space<vmem>>
        %dma_start3A_801 = tpu.memref_squeeze %dma_start3A_800 : memref<1x100xi32, #tpu.memory_space<vmem>> -> memref<100xi32, #tpu.memory_space<vmem>>
        %dma_start3A_802 = arith.constant 0 : i32
        %dma_start3A_803 = arith.constant 0 : i32
        %dma_start3A_804 = tpu.memref_slice %arg3[%dma_start3A_802, %dma_start3A_803] : memref<1000000x32xf32, #tpu.memory_space<hbm>> -> memref<1000000x32xf32, #tpu.memory_space<hbm>>
        tpu.enqueue_indirect_dma source(%dma_start3A_804 : memref<1000000x32xf32, #tpu.memory_space<hbm>>) target(%dma_start3A_798 : memref<100x32xf32, #tpu.memory_space<vmem>>) offsets(%dma_start3A_801 : memref<100xi32, #tpu.memory_space<vmem>>) semaphore(%arg17 : memref<!tpu.dma_semaphore, #tpu.memory_space<semaphore_mem>>)
      } else {
      }
      %broadcast_in_dim3A_201 = arith.constant 0.000000e+00 : f32
      %broadcast_in_dim3A_202 = vector.broadcast %broadcast_in_dim3A_201 : f32 to vector<16xf32>
      %broadcast_in_dim3A_203 = arith.constant 0.000000e+00 : f32
      %broadcast_in_dim3A_204 = vector.broadcast %broadcast_in_dim3A_203 : f32 to vector<16xf32>
      %scan3A_205 = arith.constant 0 : i32
      %scan3A_206 = arith.constant 50 : i32
      %scan3A_207 = arith.addi %scan3A_205, %scan3A_206 : i32
      %scan3A_208 = arith.constant 1 : i32
      %scan3A_209:2 = scf.for %scan3A_779 = %scan3A_205 to %scan3A_207 step %scan3A_208 iter_args(%scan3A_780 = %broadcast_in_dim3A_202, %scan3A_781 = %broadcast_in_dim3A_204) -> (vector<16xf32>, vector<16xf32>)  : i32 {
        %mul3A_782 = arith.constant 4 : i32
        %mul3A_783 = arith.muli %scan3A_779, %mul3A_782 : i32
        %add3A_784 = arith.constant 0 : i32
        %add3A_785 = arith.addi %mul3A_783, %add3A_784 : i32
        %get3A = arith.index_cast %add3A_785 : i32 to index
        %get3A_786 = arith.constant 0 : index
        %get3A_787 = tpu.vector_load %arg7[%get3A, %get3A_786] {strides = array<i32>} : memref<200x32xf32, #tpu.memory_space<vmem>>, vector<16xf32>,
        %get3A_788 = arith.index_cast %add3A_785 : i32 to index
        %get3A_789 = arith.constant 0 : index
        %get3A_790 = tpu.vector_load %arg15[%get3A_788, %get3A_789] {strides = array<i32>} : memref<200x32xf32, #tpu.memory_space<vmem>>, vector<16xf32>,
        %mul3A_791 = arith.mulf %get3A_787, %get3A_790 : vector<16xf32>
        %add3A_792 = arith.addf %scan3A_780, %mul3A_791 : vector<16xf32>
        %get3A_793 = arith.index_cast %add3A_785 : i32 to index
        %get3A_794 = arith.constant 16 : index
        %get3A_795 = tpu.vector_load %arg7[%get3A_793, %get3A_794] {strides = array<i32>} : memref<200x32xf32, #tpu.memory_space<vmem>>, vector<16xf32>,
        %get3A_796 = arith.index_cast %add3A_785 : i32 to index
        %get3A_797 = arith.constant 16 : index
        %get3A_798 = tpu.vector_load %arg15[%get3A_796, %get3A_797] {strides = array<i32>} : memref<200x32xf32, #tpu.memory_space<vmem>>, vector<16xf32>,
        %mul3A_799 = arith.mulf %get3A_795, %get3A_798 : vector<16xf32>
        %add3A_800 = arith.addf %scan3A_781, %mul3A_799 : vector<16xf32>
        %mul3A_801 = arith.constant 4 : i32
        %mul3A_802 = arith.muli %scan3A_779, %mul3A_801 : i32
        %add3A_803 = arith.constant 1 : i32
        %add3A_804 = arith.addi %mul3A_802, %add3A_803 : i32
        %get3A_805 = arith.index_cast %add3A_804 : i32 to index
        %get3A_806 = arith.constant 0 : index
        %get3A_807 = tpu.vector_load %arg7[%get3A_805, %get3A_806] {strides = array<i32>} : memref<200x32xf32, #tpu.memory_space<vmem>>, vector<16xf32>,
        %get3A_808 = arith.index_cast %add3A_804 : i32 to index
        %get3A_809 = arith.constant 0 : index
        %get3A_810 = tpu.vector_load %arg15[%get3A_808, %get3A_809] {strides = array<i32>} : memref<200x32xf32, #tpu.memory_space<vmem>>, vector<16xf32>,
        %mul3A_811 = arith.mulf %get3A_807, %get3A_810 : vector<16xf32>
        %add3A_812 = arith.addf %add3A_792, %mul3A_811 : vector<16xf32>
        %get3A_813 = arith.index_cast %add3A_804 : i32 to index
        %get3A_814 = arith.constant 16 : index
        %get3A_815 = tpu.vector_load %arg7[%get3A_813, %get3A_814] {strides = array<i32>} : memref<200x32xf32, #tpu.memory_space<vmem>>, vector<16xf32>,
        %get3A_816 = arith.index_cast %add3A_804 : i32 to index
        %get3A_817 = arith.constant 16 : index
        %get3A_818 = tpu.vector_load %arg15[%get3A_816, %get3A_817] {strides = array<i32>} : memref<200x32xf32, #tpu.memory_space<vmem>>, vector<16xf32>,
        %mul3A_819 = arith.mulf %get3A_815, %get3A_818 : vector<16xf32>
        %add3A_820 = arith.addf %add3A_800, %mul3A_819 : vector<16xf32>
        %mul3A_821 = arith.constant 4 : i32
        %mul3A_822 = arith.muli %scan3A_779, %mul3A_821 : i32
        %add3A_823 = arith.constant 2 : i32
        %add3A_824 = arith.addi %mul3A_822, %add3A_823 : i32
        %get3A_825 = arith.index_cast %add3A_824 : i32 to index
        %get3A_826 = arith.constant 0 : index
        %get3A_827 = tpu.vector_load %arg7[%get3A_825, %get3A_826] {strides = array<i32>} : memref<200x32xf32, #tpu.memory_space<vmem>>, vector<16xf32>,
        %get3A_828 = arith.index_cast %add3A_824 : i32 to index
        %get3A_829 = arith.constant 0 : index
        %get3A_830 = tpu.vector_load %arg15[%get3A_828, %get3A_829] {strides = array<i32>} : memref<200x32xf32, #tpu.memory_space<vmem>>, vector<16xf32>,
        %mul3A_831 = arith.mulf %get3A_827, %get3A_830 : vector<16xf32>
        %add3A_832 = arith.addf %add3A_812, %mul3A_831 : vector<16xf32>
        %get3A_833 = arith.index_cast %add3A_824 : i32 to index
        %get3A_834 = arith.constant 16 : index
        %get3A_835 = tpu.vector_load %arg7[%get3A_833, %get3A_834] {strides = array<i32>} : memref<200x32xf32, #tpu.memory_space<vmem>>, vector<16xf32>,
        %get3A_836 = arith.index_cast %add3A_824 : i32 to index
        %get3A_837 = arith.constant 16 : index
        %get3A_838 = tpu.vector_load %arg15[%get3A_836, %get3A_837] {strides = array<i32>} : memref<200x32xf32, #tpu.memory_space<vmem>>, vector<16xf32>,
        %mul3A_839 = arith.mulf %get3A_835, %get3A_838 : vector<16xf32>
        %add3A_840 = arith.addf %add3A_820, %mul3A_839 : vector<16xf32>
        %mul3A_841 = arith.constant 4 : i32
        %mul3A_842 = arith.muli %scan3A_779, %mul3A_841 : i32
        %add3A_843 = arith.constant 3 : i32
        %add3A_844 = arith.addi %mul3A_842, %add3A_843 : i32
        %get3A_845 = arith.index_cast %add3A_844 : i32 to index
        %get3A_846 = arith.constant 0 : index
        %get3A_847 = tpu.vector_load %arg7[%get3A_845, %get3A_846] {strides = array<i32>} : memref<200x32xf32, #tpu.memory_space<vmem>>, vector<16xf32>,
        %get3A_848 = arith.index_cast %add3A_844 : i32 to index
        %get3A_849 = arith.constant 0 : index
        %get3A_850 = tpu.vector_load %arg15[%get3A_848, %get3A_849] {strides = array<i32>} : memref<200x32xf32, #tpu.memory_space<vmem>>, vector<16xf32>,
        %mul3A_851 = arith.mulf %get3A_847, %get3A_850 : vector<16xf32>
        %add3A_852 = arith.addf %add3A_832, %mul3A_851 : vector<16xf32>
        %get3A_853 = arith.index_cast %add3A_844 : i32 to index
        %get3A_854 = arith.constant 16 : index
        %get3A_855 = tpu.vector_load %arg7[%get3A_853, %get3A_854] {strides = array<i32>} : memref<200x32xf32, #tpu.memory_space<vmem>>, vector<16xf32>,
        %get3A_856 = arith.index_cast %add3A_844 : i32 to index
        %get3A_857 = arith.constant 16 : index
        %get3A_858 = tpu.vector_load %arg15[%get3A_856, %get3A_857] {strides = array<i32>} : memref<200x32xf32, #tpu.memory_space<vmem>>, vector<16xf32>,
        %mul3A_859 = arith.mulf %get3A_855, %get3A_858 : vector<16xf32>
        %add3A_860 = arith.addf %add3A_840, %mul3A_859 : vector<16xf32>
        scf.yield %add3A_852, %add3A_860 : vector<16xf32>, vector<16xf32>
      }
      %scan3A_210 = arith.constant 50 : i32
      %add3A_211 = arith.addf %scan3A_209#0, %scan3A_209#1 : vector<16xf32>
      %reduce_sum3A = arith.constant true
      %reduce_sum3A_212 = vector.broadcast %reduce_sum3A : i1 to vector<16xi1>
      %reduce_sum3A_213 = tpu.scan <sum>, %add3A_211 masked %reduce_sum3A_212 : vector<16xf32>, vector<16xi1> -> vector<16xf32>
      %reduce_sum3A_214 = vector.extract %reduce_sum3A_213[15] : f32 from vector<16xf32>
      %jit3A = arith.constant 2 : i32
      %eq3A = arith.constant 0 : i32
      %eq3A_215 = arith.cmpi eq, %jit3A, %eq3A : i32
      %jit3A_216 = arith.constant 1 : i32
      %select_n3A = arith.select %eq3A_215, %jit3A_216, %jit3A : i32
      %rem3A = arith.remsi %scan3A_170, %select_n3A : i32
      %ne3A = arith.constant 0 : i32
      %ne3A_217 = arith.cmpi ne, %rem3A, %ne3A : i32
      %lt3A_218 = arith.constant 0 : i32
      %lt3A_219 = arith.cmpi slt, %rem3A, %lt3A_218 : i32
      %lt3A_220 = arith.constant 0 : i32
      %lt3A_221 = arith.cmpi slt, %select_n3A, %lt3A_220 : i32
      %ne3A_222 = arith.xori %lt3A_219, %lt3A_221 : i1
      %and3A = arith.andi %ne3A_222, %ne3A_217 : i1
      %add3A_223 = arith.addi %rem3A, %select_n3A : i32
      %select_n3A_224 = arith.select %and3A, %add3A_223, %rem3A : i32
      %mul3A_225 = arith.constant 8 : i32
      %mul3A_226 = arith.muli %select_n3A_224, %mul3A_225 : i32
      %add3A_227 = arith.constant 0 : i32
      %add3A_228 = arith.addi %mul3A_226, %add3A_227 : i32
      %eq3A_229 = vector.broadcast %add3A_228 : i32 to vector<16xi32>
      %eq3A_230 = arith.cmpi eq, %iota3A, %eq3A_229 : vector<16xi32>
      %broadcast_in_dim3A_231 = vector.broadcast %reduce_sum3A_214 : f32 to vector<16xf32>
      %select_n3A_232 = arith.select %eq3A_230, %broadcast_in_dim3A_231, %scan3A_171 : vector<16xi1>, vector<16xf32>
      %mul3A_233 = arith.constant 8 : i32
      %mul3A_234 = arith.muli %scan3A_170, %mul3A_233 : i32
      %add3A_235 = arith.constant 1 : i32
      %add3A_236 = arith.addi %mul3A_234, %add3A_235 : i32
      %dma_wait3A_237 = arith.constant 0 : i32
      %dma_wait3A_238 = arith.constant 0 : i32
      %dma_wait3A_239 = tpu.memref_slice %arg8[%dma_wait3A_237, %dma_wait3A_238] : memref<200x32xf32, #tpu.memory_space<vmem>> -> memref<100x32xf32, #tpu.memory_space<vmem>>
      %dma_wait3A_240 = arith.constant 0 : i32
      %dma_wait3A_241 = arith.constant 0 : i32
      %dma_wait3A_242 = tpu.memref_slice %arg3[%dma_wait3A_240, %dma_wait3A_241] : memref<1000000x32xf32, #tpu.memory_space<hbm>> -> memref<100x32xf32, #tpu.memory_space<hbm>>
      %dma_wait3A_243 = arith.constant 0 : i32
      %dma_wait3A_244 = arith.constant 0 : i32
      %dma_wait3A_245 = tpu.memref_slice %arg8[%dma_wait3A_243, %dma_wait3A_244] : memref<200x32xf32, #tpu.memory_space<vmem>> -> memref<100x32xf32, #tpu.memory_space<vmem>>
      %dma_wait3A_246 = arith.constant 0 : i32
      %dma_wait3A_247 = arith.constant 0 : i32
      %dma_wait3A_248 = tpu.memref_slice %arg3[%dma_wait3A_246, %dma_wait3A_247] : memref<1000000x32xf32, #tpu.memory_space<hbm>> -> memref<100x32xf32, #tpu.memory_space<hbm>>
      tpu.wait_dma2 semaphore(%arg18 : memref<!tpu.dma_semaphore, #tpu.memory_space<semaphore_mem>>) src(%dma_wait3A_248 : memref<100x32xf32, #tpu.memory_space<hbm>>) dst(%dma_wait3A_245 : memref<100x32xf32, #tpu.memory_space<vmem>>)
      %dma_wait3A_249 = arith.constant 100 : i32
      %dma_wait3A_250 = arith.constant 0 : i32
      %dma_wait3A_251 = tpu.memref_slice %arg8[%dma_wait3A_249, %dma_wait3A_250] : memref<200x32xf32, #tpu.memory_space<vmem>> -> memref<100x32xf32, #tpu.memory_space<vmem>>
      %dma_wait3A_252 = arith.constant 0 : i32
      %dma_wait3A_253 = arith.constant 0 : i32
      %dma_wait3A_254 = tpu.memref_slice %arg3[%dma_wait3A_252, %dma_wait3A_253] : memref<1000000x32xf32, #tpu.memory_space<hbm>> -> memref<100x32xf32, #tpu.memory_space<hbm>>
      %dma_wait3A_255 = arith.constant 100 : i32
      %dma_wait3A_256 = arith.constant 0 : i32
      %dma_wait3A_257 = tpu.memref_slice %arg8[%dma_wait3A_255, %dma_wait3A_256] : memref<200x32xf32, #tpu.memory_space<vmem>> -> memref<100x32xf32, #tpu.memory_space<vmem>>
      %dma_wait3A_258 = arith.constant 0 : i32
      %dma_wait3A_259 = arith.constant 0 : i32
      %dma_wait3A_260 = tpu.memref_slice %arg3[%dma_wait3A_258, %dma_wait3A_259] : memref<1000000x32xf32, #tpu.memory_space<hbm>> -> memref<100x32xf32, #tpu.memory_space<hbm>>
      tpu.wait_dma2 semaphore(%arg18 : memref<!tpu.dma_semaphore, #tpu.memory_space<semaphore_mem>>) src(%dma_wait3A_260 : memref<100x32xf32, #tpu.memory_space<hbm>>) dst(%dma_wait3A_257 : memref<100x32xf32, #tpu.memory_space<vmem>>)
      %lt3A_261 = arith.constant 15 : i32
      %lt3A_262 = arith.cmpi slt, %scan3A_170, %lt3A_261 : i32
      %convert_element_type3A_263 = arith.extui %lt3A_262 : i1 to i32
      %cond3A_264 = arith.constant 0 : i32
      %cond3A_265 = arith.cmpi ne, %convert_element_type3A_263, %cond3A_264 : i32
      scf.if %cond3A_265 {
        %add3A_779 = arith.constant 8 : i32
        %add3A_780 = arith.addi %add3A_236, %add3A_779 : i32
        %mul3A_781 = arith.constant 2 : i32
        %mul3A_782 = arith.muli %mul3A_781, %add3A_780 : i32
        %dma_start3A_783 = arith.constant 0 : i32
        %dma_start3A_784 = arith.constant 0 : i32
        %dma_start3A_785 = tpu.memref_slice %arg8[%dma_start3A_783, %dma_start3A_784] : memref<200x32xf32, #tpu.memory_space<vmem>> -> memref<100x32xf32, #tpu.memory_space<vmem>>
        %dma_start3A_786 = arith.constant 0 : i32
        %dma_start3A_787 = tpu.memref_slice %arg6[%mul3A_782, %dma_start3A_786] : memref<256x100xi32, #tpu.memory_space<vmem>> -> memref<1x100xi32, #tpu.memory_space<vmem>>
        %dma_start3A_788 = tpu.memref_squeeze %dma_start3A_787 : memref<1x100xi32, #tpu.memory_space<vmem>> -> memref<100xi32, #tpu.memory_space<vmem>>
        %dma_start3A_789 = arith.constant 0 : i32
        %dma_start3A_790 = arith.constant 0 : i32
        %dma_start3A_791 = tpu.memref_slice %arg3[%dma_start3A_789, %dma_start3A_790] : memref<1000000x32xf32, #tpu.memory_space<hbm>> -> memref<1000000x32xf32, #tpu.memory_space<hbm>>
        tpu.enqueue_indirect_dma source(%dma_start3A_791 : memref<1000000x32xf32, #tpu.memory_space<hbm>>) target(%dma_start3A_785 : memref<100x32xf32, #tpu.memory_space<vmem>>) offsets(%dma_start3A_788 : memref<100xi32, #tpu.memory_space<vmem>>) semaphore(%arg18 : memref<!tpu.dma_semaphore, #tpu.memory_space<semaphore_mem>>)
        %mul3A_792 = arith.constant 2 : i32
        %mul3A_793 = arith.muli %mul3A_792, %add3A_780 : i32
        %add3A_794 = arith.constant 1 : i32
        %add3A_795 = arith.addi %mul3A_793, %add3A_794 : i32
        %dma_start3A_796 = arith.constant 100 : i32
        %dma_start3A_797 = arith.constant 0 : i32
        %dma_start3A_798 = tpu.memref_slice %arg8[%dma_start3A_796, %dma_start3A_797] : memref<200x32xf32, #tpu.memory_space<vmem>> -> memref<100x32xf32, #tpu.memory_space<vmem>>
        %dma_start3A_799 = arith.constant 0 : i32
        %dma_start3A_800 = tpu.memref_slice %arg6[%add3A_795, %dma_start3A_799] : memref<256x100xi32, #tpu.memory_space<vmem>> -> memref<1x100xi32, #tpu.memory_space<vmem>>
        %dma_start3A_801 = tpu.memref_squeeze %dma_start3A_800 : memref<1x100xi32, #tpu.memory_space<vmem>> -> memref<100xi32, #tpu.memory_space<vmem>>
        %dma_start3A_802 = arith.constant 0 : i32
        %dma_start3A_803 = arith.constant 0 : i32
        %dma_start3A_804 = tpu.memref_slice %arg3[%dma_start3A_802, %dma_start3A_803] : memref<1000000x32xf32, #tpu.memory_space<hbm>> -> memref<1000000x32xf32, #tpu.memory_space<hbm>>
        tpu.enqueue_indirect_dma source(%dma_start3A_804 : memref<1000000x32xf32, #tpu.memory_space<hbm>>) target(%dma_start3A_798 : memref<100x32xf32, #tpu.memory_space<vmem>>) offsets(%dma_start3A_801 : memref<100xi32, #tpu.memory_space<vmem>>) semaphore(%arg18 : memref<!tpu.dma_semaphore, #tpu.memory_space<semaphore_mem>>)
      } else {
      }
      %broadcast_in_dim3A_266 = arith.constant 0.000000e+00 : f32
      %broadcast_in_dim3A_267 = vector.broadcast %broadcast_in_dim3A_266 : f32 to vector<16xf32>
      %broadcast_in_dim3A_268 = arith.constant 0.000000e+00 : f32
      %broadcast_in_dim3A_269 = vector.broadcast %broadcast_in_dim3A_268 : f32 to vector<16xf32>
      %scan3A_270 = arith.constant 0 : i32
      %scan3A_271 = arith.constant 50 : i32
      %scan3A_272 = arith.addi %scan3A_270, %scan3A_271 : i32
      %scan3A_273 = arith.constant 1 : i32
      %scan3A_274:2 = scf.for %scan3A_779 = %scan3A_270 to %scan3A_272 step %scan3A_273 iter_args(%scan3A_780 = %broadcast_in_dim3A_267, %scan3A_781 = %broadcast_in_dim3A_269) -> (vector<16xf32>, vector<16xf32>)  : i32 {
        %mul3A_782 = arith.constant 4 : i32
        %mul3A_783 = arith.muli %scan3A_779, %mul3A_782 : i32
        %add3A_784 = arith.constant 0 : i32
        %add3A_785 = arith.addi %mul3A_783, %add3A_784 : i32
        %get3A = arith.index_cast %add3A_785 : i32 to index
        %get3A_786 = arith.constant 0 : index
        %get3A_787 = tpu.vector_load %arg8[%get3A, %get3A_786] {strides = array<i32>} : memref<200x32xf32, #tpu.memory_space<vmem>>, vector<16xf32>,
        %get3A_788 = arith.index_cast %add3A_785 : i32 to index
        %get3A_789 = arith.constant 0 : index
        %get3A_790 = tpu.vector_load %arg15[%get3A_788, %get3A_789] {strides = array<i32>} : memref<200x32xf32, #tpu.memory_space<vmem>>, vector<16xf32>,
        %mul3A_791 = arith.mulf %get3A_787, %get3A_790 : vector<16xf32>
        %add3A_792 = arith.addf %scan3A_780, %mul3A_791 : vector<16xf32>
        %get3A_793 = arith.index_cast %add3A_785 : i32 to index
        %get3A_794 = arith.constant 16 : index
        %get3A_795 = tpu.vector_load %arg8[%get3A_793, %get3A_794] {strides = array<i32>} : memref<200x32xf32, #tpu.memory_space<vmem>>, vector<16xf32>,
        %get3A_796 = arith.index_cast %add3A_785 : i32 to index
        %get3A_797 = arith.constant 16 : index
        %get3A_798 = tpu.vector_load %arg15[%get3A_796, %get3A_797] {strides = array<i32>} : memref<200x32xf32, #tpu.memory_space<vmem>>, vector<16xf32>,
        %mul3A_799 = arith.mulf %get3A_795, %get3A_798 : vector<16xf32>
        %add3A_800 = arith.addf %scan3A_781, %mul3A_799 : vector<16xf32>
        %mul3A_801 = arith.constant 4 : i32
        %mul3A_802 = arith.muli %scan3A_779, %mul3A_801 : i32
        %add3A_803 = arith.constant 1 : i32
        %add3A_804 = arith.addi %mul3A_802, %add3A_803 : i32
        %get3A_805 = arith.index_cast %add3A_804 : i32 to index
        %get3A_806 = arith.constant 0 : index
        %get3A_807 = tpu.vector_load %arg8[%get3A_805, %get3A_806] {strides = array<i32>} : memref<200x32xf32, #tpu.memory_space<vmem>>, vector<16xf32>,
        %get3A_808 = arith.index_cast %add3A_804 : i32 to index
        %get3A_809 = arith.constant 0 : index
        %get3A_810 = tpu.vector_load %arg15[%get3A_808, %get3A_809] {strides = array<i32>} : memref<200x32xf32, #tpu.memory_space<vmem>>, vector<16xf32>,
        %mul3A_811 = arith.mulf %get3A_807, %get3A_810 : vector<16xf32>
        %add3A_812 = arith.addf %add3A_792, %mul3A_811 : vector<16xf32>
        %get3A_813 = arith.index_cast %add3A_804 : i32 to index
        %get3A_814 = arith.constant 16 : index
        %get3A_815 = tpu.vector_load %arg8[%get3A_813, %get3A_814] {strides = array<i32>} : memref<200x32xf32, #tpu.memory_space<vmem>>, vector<16xf32>,
        %get3A_816 = arith.index_cast %add3A_804 : i32 to index
        %get3A_817 = arith.constant 16 : index
        %get3A_818 = tpu.vector_load %arg15[%get3A_816, %get3A_817] {strides = array<i32>} : memref<200x32xf32, #tpu.memory_space<vmem>>, vector<16xf32>,
        %mul3A_819 = arith.mulf %get3A_815, %get3A_818 : vector<16xf32>
        %add3A_820 = arith.addf %add3A_800, %mul3A_819 : vector<16xf32>
        %mul3A_821 = arith.constant 4 : i32
        %mul3A_822 = arith.muli %scan3A_779, %mul3A_821 : i32
        %add3A_823 = arith.constant 2 : i32
        %add3A_824 = arith.addi %mul3A_822, %add3A_823 : i32
        %get3A_825 = arith.index_cast %add3A_824 : i32 to index
        %get3A_826 = arith.constant 0 : index
        %get3A_827 = tpu.vector_load %arg8[%get3A_825, %get3A_826] {strides = array<i32>} : memref<200x32xf32, #tpu.memory_space<vmem>>, vector<16xf32>,
        %get3A_828 = arith.index_cast %add3A_824 : i32 to index
        %get3A_829 = arith.constant 0 : index
        %get3A_830 = tpu.vector_load %arg15[%get3A_828, %get3A_829] {strides = array<i32>} : memref<200x32xf32, #tpu.memory_space<vmem>>, vector<16xf32>,
        %mul3A_831 = arith.mulf %get3A_827, %get3A_830 : vector<16xf32>
        %add3A_832 = arith.addf %add3A_812, %mul3A_831 : vector<16xf32>
        %get3A_833 = arith.index_cast %add3A_824 : i32 to index
        %get3A_834 = arith.constant 16 : index
        %get3A_835 = tpu.vector_load %arg8[%get3A_833, %get3A_834] {strides = array<i32>} : memref<200x32xf32, #tpu.memory_space<vmem>>, vector<16xf32>,
        %get3A_836 = arith.index_cast %add3A_824 : i32 to index
        %get3A_837 = arith.constant 16 : index
        %get3A_838 = tpu.vector_load %arg15[%get3A_836, %get3A_837] {strides = array<i32>} : memref<200x32xf32, #tpu.memory_space<vmem>>, vector<16xf32>,
        %mul3A_839 = arith.mulf %get3A_835, %get3A_838 : vector<16xf32>
        %add3A_840 = arith.addf %add3A_820, %mul3A_839 : vector<16xf32>
        %mul3A_841 = arith.constant 4 : i32
        %mul3A_842 = arith.muli %scan3A_779, %mul3A_841 : i32
        %add3A_843 = arith.constant 3 : i32
        %add3A_844 = arith.addi %mul3A_842, %add3A_843 : i32
        %get3A_845 = arith.index_cast %add3A_844 : i32 to index
        %get3A_846 = arith.constant 0 : index
        %get3A_847 = tpu.vector_load %arg8[%get3A_845, %get3A_846] {strides = array<i32>} : memref<200x32xf32, #tpu.memory_space<vmem>>, vector<16xf32>,
        %get3A_848 = arith.index_cast %add3A_844 : i32 to index
        %get3A_849 = arith.constant 0 : index
        %get3A_850 = tpu.vector_load %arg15[%get3A_848, %get3A_849] {strides = array<i32>} : memref<200x32xf32, #tpu.memory_space<vmem>>, vector<16xf32>,
        %mul3A_851 = arith.mulf %get3A_847, %get3A_850 : vector<16xf32>
        %add3A_852 = arith.addf %add3A_832, %mul3A_851 : vector<16xf32>
        %get3A_853 = arith.index_cast %add3A_844 : i32 to index
        %get3A_854 = arith.constant 16 : index
        %get3A_855 = tpu.vector_load %arg8[%get3A_853, %get3A_854] {strides = array<i32>} : memref<200x32xf32, #tpu.memory_space<vmem>>, vector<16xf32>,
        %get3A_856 = arith.index_cast %add3A_844 : i32 to index
        %get3A_857 = arith.constant 16 : index
        %get3A_858 = tpu.vector_load %arg15[%get3A_856, %get3A_857] {strides = array<i32>} : memref<200x32xf32, #tpu.memory_space<vmem>>, vector<16xf32>,
        %mul3A_859 = arith.mulf %get3A_855, %get3A_858 : vector<16xf32>
        %add3A_860 = arith.addf %add3A_840, %mul3A_859 : vector<16xf32>
        scf.yield %add3A_852, %add3A_860 : vector<16xf32>, vector<16xf32>
      }
      %scan3A_275 = arith.constant 50 : i32
      %add3A_276 = arith.addf %scan3A_274#0, %scan3A_274#1 : vector<16xf32>
      %reduce_sum3A_277 = arith.constant true
      %reduce_sum3A_278 = vector.broadcast %reduce_sum3A_277 : i1 to vector<16xi1>
      %reduce_sum3A_279 = tpu.scan <sum>, %add3A_276 masked %reduce_sum3A_278 : vector<16xf32>, vector<16xi1> -> vector<16xf32>
      %reduce_sum3A_280 = vector.extract %reduce_sum3A_279[15] : f32 from vector<16xf32>
      %jit3A_281 = arith.constant 2 : i32
      %eq3A_282 = arith.constant 0 : i32
      %eq3A_283 = arith.cmpi eq, %jit3A_281, %eq3A_282 : i32
      %jit3A_284 = arith.constant 1 : i32
      %select_n3A_285 = arith.select %eq3A_283, %jit3A_284, %jit3A_281 : i32
      %rem3A_286 = arith.remsi %scan3A_170, %select_n3A_285 : i32
      %ne3A_287 = arith.constant 0 : i32
      %ne3A_288 = arith.cmpi ne, %rem3A_286, %ne3A_287 : i32
      %lt3A_289 = arith.constant 0 : i32
      %lt3A_290 = arith.cmpi slt, %rem3A_286, %lt3A_289 : i32
      %lt3A_291 = arith.constant 0 : i32
      %lt3A_292 = arith.cmpi slt, %select_n3A_285, %lt3A_291 : i32
      %ne3A_293 = arith.xori %lt3A_290, %lt3A_292 : i1
      %and3A_294 = arith.andi %ne3A_293, %ne3A_288 : i1
      %add3A_295 = arith.addi %rem3A_286, %select_n3A_285 : i32
      %select_n3A_296 = arith.select %and3A_294, %add3A_295, %rem3A_286 : i32
      %mul3A_297 = arith.constant 8 : i32
      %mul3A_298 = arith.muli %select_n3A_296, %mul3A_297 : i32
      %add3A_299 = arith.constant 1 : i32
      %add3A_300 = arith.addi %mul3A_298, %add3A_299 : i32
      %eq3A_301 = vector.broadcast %add3A_300 : i32 to vector<16xi32>
      %eq3A_302 = arith.cmpi eq, %iota3A, %eq3A_301 : vector<16xi32>
      %broadcast_in_dim3A_303 = vector.broadcast %reduce_sum3A_280 : f32 to vector<16xf32>
      %select_n3A_304 = arith.select %eq3A_302, %broadcast_in_dim3A_303, %select_n3A_232 : vector<16xi1>, vector<16xf32>
      %mul3A_305 = arith.constant 8 : i32
      %mul3A_306 = arith.muli %scan3A_170, %mul3A_305 : i32
      %add3A_307 = arith.constant 2 : i32
      %add3A_308 = arith.addi %mul3A_306, %add3A_307 : i32
      %dma_wait3A_309 = arith.constant 0 : i32
      %dma_wait3A_310 = arith.constant 0 : i32
      %dma_wait3A_311 = tpu.memref_slice %arg9[%dma_wait3A_309, %dma_wait3A_310] : memref<200x32xf32, #tpu.memory_space<vmem>> -> memref<100x32xf32, #tpu.memory_space<vmem>>
      %dma_wait3A_312 = arith.constant 0 : i32
      %dma_wait3A_313 = arith.constant 0 : i32
      %dma_wait3A_314 = tpu.memref_slice %arg3[%dma_wait3A_312, %dma_wait3A_313] : memref<1000000x32xf32, #tpu.memory_space<hbm>> -> memref<100x32xf32, #tpu.memory_space<hbm>>
      %dma_wait3A_315 = arith.constant 0 : i32
      %dma_wait3A_316 = arith.constant 0 : i32
      %dma_wait3A_317 = tpu.memref_slice %arg9[%dma_wait3A_315, %dma_wait3A_316] : memref<200x32xf32, #tpu.memory_space<vmem>> -> memref<100x32xf32, #tpu.memory_space<vmem>>
      %dma_wait3A_318 = arith.constant 0 : i32
      %dma_wait3A_319 = arith.constant 0 : i32
      %dma_wait3A_320 = tpu.memref_slice %arg3[%dma_wait3A_318, %dma_wait3A_319] : memref<1000000x32xf32, #tpu.memory_space<hbm>> -> memref<100x32xf32, #tpu.memory_space<hbm>>
      tpu.wait_dma2 semaphore(%arg19 : memref<!tpu.dma_semaphore, #tpu.memory_space<semaphore_mem>>) src(%dma_wait3A_320 : memref<100x32xf32, #tpu.memory_space<hbm>>) dst(%dma_wait3A_317 : memref<100x32xf32, #tpu.memory_space<vmem>>)
      %dma_wait3A_321 = arith.constant 100 : i32
      %dma_wait3A_322 = arith.constant 0 : i32
      %dma_wait3A_323 = tpu.memref_slice %arg9[%dma_wait3A_321, %dma_wait3A_322] : memref<200x32xf32, #tpu.memory_space<vmem>> -> memref<100x32xf32, #tpu.memory_space<vmem>>
      %dma_wait3A_324 = arith.constant 0 : i32
      %dma_wait3A_325 = arith.constant 0 : i32
      %dma_wait3A_326 = tpu.memref_slice %arg3[%dma_wait3A_324, %dma_wait3A_325] : memref<1000000x32xf32, #tpu.memory_space<hbm>> -> memref<100x32xf32, #tpu.memory_space<hbm>>
      %dma_wait3A_327 = arith.constant 100 : i32
      %dma_wait3A_328 = arith.constant 0 : i32
      %dma_wait3A_329 = tpu.memref_slice %arg9[%dma_wait3A_327, %dma_wait3A_328] : memref<200x32xf32, #tpu.memory_space<vmem>> -> memref<100x32xf32, #tpu.memory_space<vmem>>
      %dma_wait3A_330 = arith.constant 0 : i32
      %dma_wait3A_331 = arith.constant 0 : i32
      %dma_wait3A_332 = tpu.memref_slice %arg3[%dma_wait3A_330, %dma_wait3A_331] : memref<1000000x32xf32, #tpu.memory_space<hbm>> -> memref<100x32xf32, #tpu.memory_space<hbm>>
      tpu.wait_dma2 semaphore(%arg19 : memref<!tpu.dma_semaphore, #tpu.memory_space<semaphore_mem>>) src(%dma_wait3A_332 : memref<100x32xf32, #tpu.memory_space<hbm>>) dst(%dma_wait3A_329 : memref<100x32xf32, #tpu.memory_space<vmem>>)
      %lt3A_333 = arith.constant 15 : i32
      %lt3A_334 = arith.cmpi slt, %scan3A_170, %lt3A_333 : i32
      %convert_element_type3A_335 = arith.extui %lt3A_334 : i1 to i32
      %cond3A_336 = arith.constant 0 : i32
      %cond3A_337 = arith.cmpi ne, %convert_element_type3A_335, %cond3A_336 : i32
      scf.if %cond3A_337 {
        %add3A_779 = arith.constant 8 : i32
        %add3A_780 = arith.addi %add3A_308, %add3A_779 : i32
        %mul3A_781 = arith.constant 2 : i32
        %mul3A_782 = arith.muli %mul3A_781, %add3A_780 : i32
        %dma_start3A_783 = arith.constant 0 : i32
        %dma_start3A_784 = arith.constant 0 : i32
        %dma_start3A_785 = tpu.memref_slice %arg9[%dma_start3A_783, %dma_start3A_784] : memref<200x32xf32, #tpu.memory_space<vmem>> -> memref<100x32xf32, #tpu.memory_space<vmem>>
        %dma_start3A_786 = arith.constant 0 : i32
        %dma_start3A_787 = tpu.memref_slice %arg6[%mul3A_782, %dma_start3A_786] : memref<256x100xi32, #tpu.memory_space<vmem>> -> memref<1x100xi32, #tpu.memory_space<vmem>>
        %dma_start3A_788 = tpu.memref_squeeze %dma_start3A_787 : memref<1x100xi32, #tpu.memory_space<vmem>> -> memref<100xi32, #tpu.memory_space<vmem>>
        %dma_start3A_789 = arith.constant 0 : i32
        %dma_start3A_790 = arith.constant 0 : i32
        %dma_start3A_791 = tpu.memref_slice %arg3[%dma_start3A_789, %dma_start3A_790] : memref<1000000x32xf32, #tpu.memory_space<hbm>> -> memref<1000000x32xf32, #tpu.memory_space<hbm>>
        tpu.enqueue_indirect_dma source(%dma_start3A_791 : memref<1000000x32xf32, #tpu.memory_space<hbm>>) target(%dma_start3A_785 : memref<100x32xf32, #tpu.memory_space<vmem>>) offsets(%dma_start3A_788 : memref<100xi32, #tpu.memory_space<vmem>>) semaphore(%arg19 : memref<!tpu.dma_semaphore, #tpu.memory_space<semaphore_mem>>)
        %mul3A_792 = arith.constant 2 : i32
        %mul3A_793 = arith.muli %mul3A_792, %add3A_780 : i32
        %add3A_794 = arith.constant 1 : i32
        %add3A_795 = arith.addi %mul3A_793, %add3A_794 : i32
        %dma_start3A_796 = arith.constant 100 : i32
        %dma_start3A_797 = arith.constant 0 : i32
        %dma_start3A_798 = tpu.memref_slice %arg9[%dma_start3A_796, %dma_start3A_797] : memref<200x32xf32, #tpu.memory_space<vmem>> -> memref<100x32xf32, #tpu.memory_space<vmem>>
        %dma_start3A_799 = arith.constant 0 : i32
        %dma_start3A_800 = tpu.memref_slice %arg6[%add3A_795, %dma_start3A_799] : memref<256x100xi32, #tpu.memory_space<vmem>> -> memref<1x100xi32, #tpu.memory_space<vmem>>
        %dma_start3A_801 = tpu.memref_squeeze %dma_start3A_800 : memref<1x100xi32, #tpu.memory_space<vmem>> -> memref<100xi32, #tpu.memory_space<vmem>>
        %dma_start3A_802 = arith.constant 0 : i32
        %dma_start3A_803 = arith.constant 0 : i32
        %dma_start3A_804 = tpu.memref_slice %arg3[%dma_start3A_802, %dma_start3A_803] : memref<1000000x32xf32, #tpu.memory_space<hbm>> -> memref<1000000x32xf32, #tpu.memory_space<hbm>>
        tpu.enqueue_indirect_dma source(%dma_start3A_804 : memref<1000000x32xf32, #tpu.memory_space<hbm>>) target(%dma_start3A_798 : memref<100x32xf32, #tpu.memory_space<vmem>>) offsets(%dma_start3A_801 : memref<100xi32, #tpu.memory_space<vmem>>) semaphore(%arg19 : memref<!tpu.dma_semaphore, #tpu.memory_space<semaphore_mem>>)
      } else {
      }
      %broadcast_in_dim3A_338 = arith.constant 0.000000e+00 : f32
      %broadcast_in_dim3A_339 = vector.broadcast %broadcast_in_dim3A_338 : f32 to vector<16xf32>
      %broadcast_in_dim3A_340 = arith.constant 0.000000e+00 : f32
      %broadcast_in_dim3A_341 = vector.broadcast %broadcast_in_dim3A_340 : f32 to vector<16xf32>
      %scan3A_342 = arith.constant 0 : i32
      %scan3A_343 = arith.constant 50 : i32
      %scan3A_344 = arith.addi %scan3A_342, %scan3A_343 : i32
      %scan3A_345 = arith.constant 1 : i32
      %scan3A_346:2 = scf.for %scan3A_779 = %scan3A_342 to %scan3A_344 step %scan3A_345 iter_args(%scan3A_780 = %broadcast_in_dim3A_339, %scan3A_781 = %broadcast_in_dim3A_341) -> (vector<16xf32>, vector<16xf32>)  : i32 {
        %mul3A_782 = arith.constant 4 : i32
        %mul3A_783 = arith.muli %scan3A_779, %mul3A_782 : i32
        %add3A_784 = arith.constant 0 : i32
        %add3A_785 = arith.addi %mul3A_783, %add3A_784 : i32
        %get3A = arith.index_cast %add3A_785 : i32 to index
        %get3A_786 = arith.constant 0 : index
        %get3A_787 = tpu.vector_load %arg9[%get3A, %get3A_786] {strides = array<i32>} : memref<200x32xf32, #tpu.memory_space<vmem>>, vector<16xf32>,
        %get3A_788 = arith.index_cast %add3A_785 : i32 to index
        %get3A_789 = arith.constant 0 : index
        %get3A_790 = tpu.vector_load %arg15[%get3A_788, %get3A_789] {strides = array<i32>} : memref<200x32xf32, #tpu.memory_space<vmem>>, vector<16xf32>,
        %mul3A_791 = arith.mulf %get3A_787, %get3A_790 : vector<16xf32>
        %add3A_792 = arith.addf %scan3A_780, %mul3A_791 : vector<16xf32>
        %get3A_793 = arith.index_cast %add3A_785 : i32 to index
        %get3A_794 = arith.constant 16 : index
        %get3A_795 = tpu.vector_load %arg9[%get3A_793, %get3A_794] {strides = array<i32>} : memref<200x32xf32, #tpu.memory_space<vmem>>, vector<16xf32>,
        %get3A_796 = arith.index_cast %add3A_785 : i32 to index
        %get3A_797 = arith.constant 16 : index
        %get3A_798 = tpu.vector_load %arg15[%get3A_796, %get3A_797] {strides = array<i32>} : memref<200x32xf32, #tpu.memory_space<vmem>>, vector<16xf32>,
        %mul3A_799 = arith.mulf %get3A_795, %get3A_798 : vector<16xf32>
        %add3A_800 = arith.addf %scan3A_781, %mul3A_799 : vector<16xf32>
        %mul3A_801 = arith.constant 4 : i32
        %mul3A_802 = arith.muli %scan3A_779, %mul3A_801 : i32
        %add3A_803 = arith.constant 1 : i32
        %add3A_804 = arith.addi %mul3A_802, %add3A_803 : i32
        %get3A_805 = arith.index_cast %add3A_804 : i32 to index
        %get3A_806 = arith.constant 0 : index
        %get3A_807 = tpu.vector_load %arg9[%get3A_805, %get3A_806] {strides = array<i32>} : memref<200x32xf32, #tpu.memory_space<vmem>>, vector<16xf32>,
        %get3A_808 = arith.index_cast %add3A_804 : i32 to index
        %get3A_809 = arith.constant 0 : index
        %get3A_810 = tpu.vector_load %arg15[%get3A_808, %get3A_809] {strides = array<i32>} : memref<200x32xf32, #tpu.memory_space<vmem>>, vector<16xf32>,
        %mul3A_811 = arith.mulf %get3A_807, %get3A_810 : vector<16xf32>
        %add3A_812 = arith.addf %add3A_792, %mul3A_811 : vector<16xf32>
        %get3A_813 = arith.index_cast %add3A_804 : i32 to index
        %get3A_814 = arith.constant 16 : index
        %get3A_815 = tpu.vector_load %arg9[%get3A_813, %get3A_814] {strides = array<i32>} : memref<200x32xf32, #tpu.memory_space<vmem>>, vector<16xf32>,
        %get3A_816 = arith.index_cast %add3A_804 : i32 to index
        %get3A_817 = arith.constant 16 : index
        %get3A_818 = tpu.vector_load %arg15[%get3A_816, %get3A_817] {strides = array<i32>} : memref<200x32xf32, #tpu.memory_space<vmem>>, vector<16xf32>,
        %mul3A_819 = arith.mulf %get3A_815, %get3A_818 : vector<16xf32>
        %add3A_820 = arith.addf %add3A_800, %mul3A_819 : vector<16xf32>
        %mul3A_821 = arith.constant 4 : i32
        %mul3A_822 = arith.muli %scan3A_779, %mul3A_821 : i32
        %add3A_823 = arith.constant 2 : i32
        %add3A_824 = arith.addi %mul3A_822, %add3A_823 : i32
        %get3A_825 = arith.index_cast %add3A_824 : i32 to index
        %get3A_826 = arith.constant 0 : index
        %get3A_827 = tpu.vector_load %arg9[%get3A_825, %get3A_826] {strides = array<i32>} : memref<200x32xf32, #tpu.memory_space<vmem>>, vector<16xf32>,
        %get3A_828 = arith.index_cast %add3A_824 : i32 to index
        %get3A_829 = arith.constant 0 : index
        %get3A_830 = tpu.vector_load %arg15[%get3A_828, %get3A_829] {strides = array<i32>} : memref<200x32xf32, #tpu.memory_space<vmem>>, vector<16xf32>,
        %mul3A_831 = arith.mulf %get3A_827, %get3A_830 : vector<16xf32>
        %add3A_832 = arith.addf %add3A_812, %mul3A_831 : vector<16xf32>
        %get3A_833 = arith.index_cast %add3A_824 : i32 to index
        %get3A_834 = arith.constant 16 : index
        %get3A_835 = tpu.vector_load %arg9[%get3A_833, %get3A_834] {strides = array<i32>} : memref<200x32xf32, #tpu.memory_space<vmem>>, vector<16xf32>,
        %get3A_836 = arith.index_cast %add3A_824 : i32 to index
        %get3A_837 = arith.constant 16 : index
        %get3A_838 = tpu.vector_load %arg15[%get3A_836, %get3A_837] {strides = array<i32>} : memref<200x32xf32, #tpu.memory_space<vmem>>, vector<16xf32>,
        %mul3A_839 = arith.mulf %get3A_835, %get3A_838 : vector<16xf32>
        %add3A_840 = arith.addf %add3A_820, %mul3A_839 : vector<16xf32>
        %mul3A_841 = arith.constant 4 : i32
        %mul3A_842 = arith.muli %scan3A_779, %mul3A_841 : i32
        %add3A_843 = arith.constant 3 : i32
        %add3A_844 = arith.addi %mul3A_842, %add3A_843 : i32
        %get3A_845 = arith.index_cast %add3A_844 : i32 to index
        %get3A_846 = arith.constant 0 : index
        %get3A_847 = tpu.vector_load %arg9[%get3A_845, %get3A_846] {strides = array<i32>} : memref<200x32xf32, #tpu.memory_space<vmem>>, vector<16xf32>,
        %get3A_848 = arith.index_cast %add3A_844 : i32 to index
        %get3A_849 = arith.constant 0 : index
        %get3A_850 = tpu.vector_load %arg15[%get3A_848, %get3A_849] {strides = array<i32>} : memref<200x32xf32, #tpu.memory_space<vmem>>, vector<16xf32>,
        %mul3A_851 = arith.mulf %get3A_847, %get3A_850 : vector<16xf32>
        %add3A_852 = arith.addf %add3A_832, %mul3A_851 : vector<16xf32>
        %get3A_853 = arith.index_cast %add3A_844 : i32 to index
        %get3A_854 = arith.constant 16 : index
        %get3A_855 = tpu.vector_load %arg9[%get3A_853, %get3A_854] {strides = array<i32>} : memref<200x32xf32, #tpu.memory_space<vmem>>, vector<16xf32>,
        %get3A_856 = arith.index_cast %add3A_844 : i32 to index
        %get3A_857 = arith.constant 16 : index
        %get3A_858 = tpu.vector_load %arg15[%get3A_856, %get3A_857] {strides = array<i32>} : memref<200x32xf32, #tpu.memory_space<vmem>>, vector<16xf32>,
        %mul3A_859 = arith.mulf %get3A_855, %get3A_858 : vector<16xf32>
        %add3A_860 = arith.addf %add3A_840, %mul3A_859 : vector<16xf32>
        scf.yield %add3A_852, %add3A_860 : vector<16xf32>, vector<16xf32>
      }
      %scan3A_347 = arith.constant 50 : i32
      %add3A_348 = arith.addf %scan3A_346#0, %scan3A_346#1 : vector<16xf32>
      %reduce_sum3A_349 = arith.constant true
      %reduce_sum3A_350 = vector.broadcast %reduce_sum3A_349 : i1 to vector<16xi1>
      %reduce_sum3A_351 = tpu.scan <sum>, %add3A_348 masked %reduce_sum3A_350 : vector<16xf32>, vector<16xi1> -> vector<16xf32>
      %reduce_sum3A_352 = vector.extract %reduce_sum3A_351[15] : f32 from vector<16xf32>
      %jit3A_353 = arith.constant 2 : i32
      %eq3A_354 = arith.constant 0 : i32
      %eq3A_355 = arith.cmpi eq, %jit3A_353, %eq3A_354 : i32
      %jit3A_356 = arith.constant 1 : i32
      %select_n3A_357 = arith.select %eq3A_355, %jit3A_356, %jit3A_353 : i32
      %rem3A_358 = arith.remsi %scan3A_170, %select_n3A_357 : i32
      %ne3A_359 = arith.constant 0 : i32
      %ne3A_360 = arith.cmpi ne, %rem3A_358, %ne3A_359 : i32
      %lt3A_361 = arith.constant 0 : i32
      %lt3A_362 = arith.cmpi slt, %rem3A_358, %lt3A_361 : i32
      %lt3A_363 = arith.constant 0 : i32
      %lt3A_364 = arith.cmpi slt, %select_n3A_357, %lt3A_363 : i32
      %ne3A_365 = arith.xori %lt3A_362, %lt3A_364 : i1
      %and3A_366 = arith.andi %ne3A_365, %ne3A_360 : i1
      %add3A_367 = arith.addi %rem3A_358, %select_n3A_357 : i32
      %select_n3A_368 = arith.select %and3A_366, %add3A_367, %rem3A_358 : i32
      %mul3A_369 = arith.constant 8 : i32
      %mul3A_370 = arith.muli %select_n3A_368, %mul3A_369 : i32
      %add3A_371 = arith.constant 2 : i32
      %add3A_372 = arith.addi %mul3A_370, %add3A_371 : i32
      %eq3A_373 = vector.broadcast %add3A_372 : i32 to vector<16xi32>
      %eq3A_374 = arith.cmpi eq, %iota3A, %eq3A_373 : vector<16xi32>
      %broadcast_in_dim3A_375 = vector.broadcast %reduce_sum3A_352 : f32 to vector<16xf32>
      %select_n3A_376 = arith.select %eq3A_374, %broadcast_in_dim3A_375, %select_n3A_304 : vector<16xi1>, vector<16xf32>
      %mul3A_377 = arith.constant 8 : i32
      %mul3A_378 = arith.muli %scan3A_170, %mul3A_377 : i32
      %add3A_379 = arith.constant 3 : i32
      %add3A_380 = arith.addi %mul3A_378, %add3A_379 : i32
      %dma_wait3A_381 = arith.constant 0 : i32
      %dma_wait3A_382 = arith.constant 0 : i32
      %dma_wait3A_383 = tpu.memref_slice %arg10[%dma_wait3A_381, %dma_wait3A_382] : memref<200x32xf32, #tpu.memory_space<vmem>> -> memref<100x32xf32, #tpu.memory_space<vmem>>
      %dma_wait3A_384 = arith.constant 0 : i32
      %dma_wait3A_385 = arith.constant 0 : i32
      %dma_wait3A_386 = tpu.memref_slice %arg3[%dma_wait3A_384, %dma_wait3A_385] : memref<1000000x32xf32, #tpu.memory_space<hbm>> -> memref<100x32xf32, #tpu.memory_space<hbm>>
      %dma_wait3A_387 = arith.constant 0 : i32
      %dma_wait3A_388 = arith.constant 0 : i32
      %dma_wait3A_389 = tpu.memref_slice %arg10[%dma_wait3A_387, %dma_wait3A_388] : memref<200x32xf32, #tpu.memory_space<vmem>> -> memref<100x32xf32, #tpu.memory_space<vmem>>
      %dma_wait3A_390 = arith.constant 0 : i32
      %dma_wait3A_391 = arith.constant 0 : i32
      %dma_wait3A_392 = tpu.memref_slice %arg3[%dma_wait3A_390, %dma_wait3A_391] : memref<1000000x32xf32, #tpu.memory_space<hbm>> -> memref<100x32xf32, #tpu.memory_space<hbm>>
      tpu.wait_dma2 semaphore(%arg20 : memref<!tpu.dma_semaphore, #tpu.memory_space<semaphore_mem>>) src(%dma_wait3A_392 : memref<100x32xf32, #tpu.memory_space<hbm>>) dst(%dma_wait3A_389 : memref<100x32xf32, #tpu.memory_space<vmem>>)
      %dma_wait3A_393 = arith.constant 100 : i32
      %dma_wait3A_394 = arith.constant 0 : i32
      %dma_wait3A_395 = tpu.memref_slice %arg10[%dma_wait3A_393, %dma_wait3A_394] : memref<200x32xf32, #tpu.memory_space<vmem>> -> memref<100x32xf32, #tpu.memory_space<vmem>>
      %dma_wait3A_396 = arith.constant 0 : i32
      %dma_wait3A_397 = arith.constant 0 : i32
      %dma_wait3A_398 = tpu.memref_slice %arg3[%dma_wait3A_396, %dma_wait3A_397] : memref<1000000x32xf32, #tpu.memory_space<hbm>> -> memref<100x32xf32, #tpu.memory_space<hbm>>
      %dma_wait3A_399 = arith.constant 100 : i32
      %dma_wait3A_400 = arith.constant 0 : i32
      %dma_wait3A_401 = tpu.memref_slice %arg10[%dma_wait3A_399, %dma_wait3A_400] : memref<200x32xf32, #tpu.memory_space<vmem>> -> memref<100x32xf32, #tpu.memory_space<vmem>>
      %dma_wait3A_402 = arith.constant 0 : i32
      %dma_wait3A_403 = arith.constant 0 : i32
      %dma_wait3A_404 = tpu.memref_slice %arg3[%dma_wait3A_402, %dma_wait3A_403] : memref<1000000x32xf32, #tpu.memory_space<hbm>> -> memref<100x32xf32, #tpu.memory_space<hbm>>
      tpu.wait_dma2 semaphore(%arg20 : memref<!tpu.dma_semaphore, #tpu.memory_space<semaphore_mem>>) src(%dma_wait3A_404 : memref<100x32xf32, #tpu.memory_space<hbm>>) dst(%dma_wait3A_401 : memref<100x32xf32, #tpu.memory_space<vmem>>)
      %lt3A_405 = arith.constant 15 : i32
      %lt3A_406 = arith.cmpi slt, %scan3A_170, %lt3A_405 : i32
      %convert_element_type3A_407 = arith.extui %lt3A_406 : i1 to i32
      %cond3A_408 = arith.constant 0 : i32
      %cond3A_409 = arith.cmpi ne, %convert_element_type3A_407, %cond3A_408 : i32
      scf.if %cond3A_409 {
        %add3A_779 = arith.constant 8 : i32
        %add3A_780 = arith.addi %add3A_380, %add3A_779 : i32
        %mul3A_781 = arith.constant 2 : i32
        %mul3A_782 = arith.muli %mul3A_781, %add3A_780 : i32
        %dma_start3A_783 = arith.constant 0 : i32
        %dma_start3A_784 = arith.constant 0 : i32
        %dma_start3A_785 = tpu.memref_slice %arg10[%dma_start3A_783, %dma_start3A_784] : memref<200x32xf32, #tpu.memory_space<vmem>> -> memref<100x32xf32, #tpu.memory_space<vmem>>
        %dma_start3A_786 = arith.constant 0 : i32
        %dma_start3A_787 = tpu.memref_slice %arg6[%mul3A_782, %dma_start3A_786] : memref<256x100xi32, #tpu.memory_space<vmem>> -> memref<1x100xi32, #tpu.memory_space<vmem>>
        %dma_start3A_788 = tpu.memref_squeeze %dma_start3A_787 : memref<1x100xi32, #tpu.memory_space<vmem>> -> memref<100xi32, #tpu.memory_space<vmem>>
        %dma_start3A_789 = arith.constant 0 : i32
        %dma_start3A_790 = arith.constant 0 : i32
        %dma_start3A_791 = tpu.memref_slice %arg3[%dma_start3A_789, %dma_start3A_790] : memref<1000000x32xf32, #tpu.memory_space<hbm>> -> memref<1000000x32xf32, #tpu.memory_space<hbm>>
        tpu.enqueue_indirect_dma source(%dma_start3A_791 : memref<1000000x32xf32, #tpu.memory_space<hbm>>) target(%dma_start3A_785 : memref<100x32xf32, #tpu.memory_space<vmem>>) offsets(%dma_start3A_788 : memref<100xi32, #tpu.memory_space<vmem>>) semaphore(%arg20 : memref<!tpu.dma_semaphore, #tpu.memory_space<semaphore_mem>>)
        %mul3A_792 = arith.constant 2 : i32
        %mul3A_793 = arith.muli %mul3A_792, %add3A_780 : i32
        %add3A_794 = arith.constant 1 : i32
        %add3A_795 = arith.addi %mul3A_793, %add3A_794 : i32
        %dma_start3A_796 = arith.constant 100 : i32
        %dma_start3A_797 = arith.constant 0 : i32
        %dma_start3A_798 = tpu.memref_slice %arg10[%dma_start3A_796, %dma_start3A_797] : memref<200x32xf32, #tpu.memory_space<vmem>> -> memref<100x32xf32, #tpu.memory_space<vmem>>
        %dma_start3A_799 = arith.constant 0 : i32
        %dma_start3A_800 = tpu.memref_slice %arg6[%add3A_795, %dma_start3A_799] : memref<256x100xi32, #tpu.memory_space<vmem>> -> memref<1x100xi32, #tpu.memory_space<vmem>>
        %dma_start3A_801 = tpu.memref_squeeze %dma_start3A_800 : memref<1x100xi32, #tpu.memory_space<vmem>> -> memref<100xi32, #tpu.memory_space<vmem>>
        %dma_start3A_802 = arith.constant 0 : i32
        %dma_start3A_803 = arith.constant 0 : i32
        %dma_start3A_804 = tpu.memref_slice %arg3[%dma_start3A_802, %dma_start3A_803] : memref<1000000x32xf32, #tpu.memory_space<hbm>> -> memref<1000000x32xf32, #tpu.memory_space<hbm>>
        tpu.enqueue_indirect_dma source(%dma_start3A_804 : memref<1000000x32xf32, #tpu.memory_space<hbm>>) target(%dma_start3A_798 : memref<100x32xf32, #tpu.memory_space<vmem>>) offsets(%dma_start3A_801 : memref<100xi32, #tpu.memory_space<vmem>>) semaphore(%arg20 : memref<!tpu.dma_semaphore, #tpu.memory_space<semaphore_mem>>)
      } else {
      }
      %broadcast_in_dim3A_410 = arith.constant 0.000000e+00 : f32
      %broadcast_in_dim3A_411 = vector.broadcast %broadcast_in_dim3A_410 : f32 to vector<16xf32>
      %broadcast_in_dim3A_412 = arith.constant 0.000000e+00 : f32
      %broadcast_in_dim3A_413 = vector.broadcast %broadcast_in_dim3A_412 : f32 to vector<16xf32>
      %scan3A_414 = arith.constant 0 : i32
      %scan3A_415 = arith.constant 50 : i32
      %scan3A_416 = arith.addi %scan3A_414, %scan3A_415 : i32
      %scan3A_417 = arith.constant 1 : i32
      %scan3A_418:2 = scf.for %scan3A_779 = %scan3A_414 to %scan3A_416 step %scan3A_417 iter_args(%scan3A_780 = %broadcast_in_dim3A_411, %scan3A_781 = %broadcast_in_dim3A_413) -> (vector<16xf32>, vector<16xf32>)  : i32 {
        %mul3A_782 = arith.constant 4 : i32
        %mul3A_783 = arith.muli %scan3A_779, %mul3A_782 : i32
        %add3A_784 = arith.constant 0 : i32
        %add3A_785 = arith.addi %mul3A_783, %add3A_784 : i32
        %get3A = arith.index_cast %add3A_785 : i32 to index
        %get3A_786 = arith.constant 0 : index
        %get3A_787 = tpu.vector_load %arg10[%get3A, %get3A_786] {strides = array<i32>} : memref<200x32xf32, #tpu.memory_space<vmem>>, vector<16xf32>,
        %get3A_788 = arith.index_cast %add3A_785 : i32 to index
        %get3A_789 = arith.constant 0 : index
        %get3A_790 = tpu.vector_load %arg15[%get3A_788, %get3A_789] {strides = array<i32>} : memref<200x32xf32, #tpu.memory_space<vmem>>, vector<16xf32>,
        %mul3A_791 = arith.mulf %get3A_787, %get3A_790 : vector<16xf32>
        %add3A_792 = arith.addf %scan3A_780, %mul3A_791 : vector<16xf32>
        %get3A_793 = arith.index_cast %add3A_785 : i32 to index
        %get3A_794 = arith.constant 16 : index
        %get3A_795 = tpu.vector_load %arg10[%get3A_793, %get3A_794] {strides = array<i32>} : memref<200x32xf32, #tpu.memory_space<vmem>>, vector<16xf32>,
        %get3A_796 = arith.index_cast %add3A_785 : i32 to index
        %get3A_797 = arith.constant 16 : index
        %get3A_798 = tpu.vector_load %arg15[%get3A_796, %get3A_797] {strides = array<i32>} : memref<200x32xf32, #tpu.memory_space<vmem>>, vector<16xf32>,
        %mul3A_799 = arith.mulf %get3A_795, %get3A_798 : vector<16xf32>
        %add3A_800 = arith.addf %scan3A_781, %mul3A_799 : vector<16xf32>
        %mul3A_801 = arith.constant 4 : i32
        %mul3A_802 = arith.muli %scan3A_779, %mul3A_801 : i32
        %add3A_803 = arith.constant 1 : i32
        %add3A_804 = arith.addi %mul3A_802, %add3A_803 : i32
        %get3A_805 = arith.index_cast %add3A_804 : i32 to index
        %get3A_806 = arith.constant 0 : index
        %get3A_807 = tpu.vector_load %arg10[%get3A_805, %get3A_806] {strides = array<i32>} : memref<200x32xf32, #tpu.memory_space<vmem>>, vector<16xf32>,
        %get3A_808 = arith.index_cast %add3A_804 : i32 to index
        %get3A_809 = arith.constant 0 : index
        %get3A_810 = tpu.vector_load %arg15[%get3A_808, %get3A_809] {strides = array<i32>} : memref<200x32xf32, #tpu.memory_space<vmem>>, vector<16xf32>,
        %mul3A_811 = arith.mulf %get3A_807, %get3A_810 : vector<16xf32>
        %add3A_812 = arith.addf %add3A_792, %mul3A_811 : vector<16xf32>
        %get3A_813 = arith.index_cast %add3A_804 : i32 to index
        %get3A_814 = arith.constant 16 : index
        %get3A_815 = tpu.vector_load %arg10[%get3A_813, %get3A_814] {strides = array<i32>} : memref<200x32xf32, #tpu.memory_space<vmem>>, vector<16xf32>,
        %get3A_816 = arith.index_cast %add3A_804 : i32 to index
        %get3A_817 = arith.constant 16 : index
        %get3A_818 = tpu.vector_load %arg15[%get3A_816, %get3A_817] {strides = array<i32>} : memref<200x32xf32, #tpu.memory_space<vmem>>, vector<16xf32>,
        %mul3A_819 = arith.mulf %get3A_815, %get3A_818 : vector<16xf32>
        %add3A_820 = arith.addf %add3A_800, %mul3A_819 : vector<16xf32>
        %mul3A_821 = arith.constant 4 : i32
        %mul3A_822 = arith.muli %scan3A_779, %mul3A_821 : i32
        %add3A_823 = arith.constant 2 : i32
        %add3A_824 = arith.addi %mul3A_822, %add3A_823 : i32
        %get3A_825 = arith.index_cast %add3A_824 : i32 to index
        %get3A_826 = arith.constant 0 : index
        %get3A_827 = tpu.vector_load %arg10[%get3A_825, %get3A_826] {strides = array<i32>} : memref<200x32xf32, #tpu.memory_space<vmem>>, vector<16xf32>,
        %get3A_828 = arith.index_cast %add3A_824 : i32 to index
        %get3A_829 = arith.constant 0 : index
        %get3A_830 = tpu.vector_load %arg15[%get3A_828, %get3A_829] {strides = array<i32>} : memref<200x32xf32, #tpu.memory_space<vmem>>, vector<16xf32>,
        %mul3A_831 = arith.mulf %get3A_827, %get3A_830 : vector<16xf32>
        %add3A_832 = arith.addf %add3A_812, %mul3A_831 : vector<16xf32>
        %get3A_833 = arith.index_cast %add3A_824 : i32 to index
        %get3A_834 = arith.constant 16 : index
        %get3A_835 = tpu.vector_load %arg10[%get3A_833, %get3A_834] {strides = array<i32>} : memref<200x32xf32, #tpu.memory_space<vmem>>, vector<16xf32>,
        %get3A_836 = arith.index_cast %add3A_824 : i32 to index
        %get3A_837 = arith.constant 16 : index
        %get3A_838 = tpu.vector_load %arg15[%get3A_836, %get3A_837] {strides = array<i32>} : memref<200x32xf32, #tpu.memory_space<vmem>>, vector<16xf32>,
        %mul3A_839 = arith.mulf %get3A_835, %get3A_838 : vector<16xf32>
        %add3A_840 = arith.addf %add3A_820, %mul3A_839 : vector<16xf32>
        %mul3A_841 = arith.constant 4 : i32
        %mul3A_842 = arith.muli %scan3A_779, %mul3A_841 : i32
        %add3A_843 = arith.constant 3 : i32
        %add3A_844 = arith.addi %mul3A_842, %add3A_843 : i32
        %get3A_845 = arith.index_cast %add3A_844 : i32 to index
        %get3A_846 = arith.constant 0 : index
        %get3A_847 = tpu.vector_load %arg10[%get3A_845, %get3A_846] {strides = array<i32>} : memref<200x32xf32, #tpu.memory_space<vmem>>, vector<16xf32>,
        %get3A_848 = arith.index_cast %add3A_844 : i32 to index
        %get3A_849 = arith.constant 0 : index
        %get3A_850 = tpu.vector_load %arg15[%get3A_848, %get3A_849] {strides = array<i32>} : memref<200x32xf32, #tpu.memory_space<vmem>>, vector<16xf32>,
        %mul3A_851 = arith.mulf %get3A_847, %get3A_850 : vector<16xf32>
        %add3A_852 = arith.addf %add3A_832, %mul3A_851 : vector<16xf32>
        %get3A_853 = arith.index_cast %add3A_844 : i32 to index
        %get3A_854 = arith.constant 16 : index
        %get3A_855 = tpu.vector_load %arg10[%get3A_853, %get3A_854] {strides = array<i32>} : memref<200x32xf32, #tpu.memory_space<vmem>>, vector<16xf32>,
        %get3A_856 = arith.index_cast %add3A_844 : i32 to index
        %get3A_857 = arith.constant 16 : index
        %get3A_858 = tpu.vector_load %arg15[%get3A_856, %get3A_857] {strides = array<i32>} : memref<200x32xf32, #tpu.memory_space<vmem>>, vector<16xf32>,
        %mul3A_859 = arith.mulf %get3A_855, %get3A_858 : vector<16xf32>
        %add3A_860 = arith.addf %add3A_840, %mul3A_859 : vector<16xf32>
        scf.yield %add3A_852, %add3A_860 : vector<16xf32>, vector<16xf32>
      }
      %scan3A_419 = arith.constant 50 : i32
      %add3A_420 = arith.addf %scan3A_418#0, %scan3A_418#1 : vector<16xf32>
      %reduce_sum3A_421 = arith.constant true
      %reduce_sum3A_422 = vector.broadcast %reduce_sum3A_421 : i1 to vector<16xi1>
      %reduce_sum3A_423 = tpu.scan <sum>, %add3A_420 masked %reduce_sum3A_422 : vector<16xf32>, vector<16xi1> -> vector<16xf32>
      %reduce_sum3A_424 = vector.extract %reduce_sum3A_423[15] : f32 from vector<16xf32>
      %jit3A_425 = arith.constant 2 : i32
      %eq3A_426 = arith.constant 0 : i32
      %eq3A_427 = arith.cmpi eq, %jit3A_425, %eq3A_426 : i32
      %jit3A_428 = arith.constant 1 : i32
      %select_n3A_429 = arith.select %eq3A_427, %jit3A_428, %jit3A_425 : i32
      %rem3A_430 = arith.remsi %scan3A_170, %select_n3A_429 : i32
      %ne3A_431 = arith.constant 0 : i32
      %ne3A_432 = arith.cmpi ne, %rem3A_430, %ne3A_431 : i32
      %lt3A_433 = arith.constant 0 : i32
      %lt3A_434 = arith.cmpi slt, %rem3A_430, %lt3A_433 : i32
      %lt3A_435 = arith.constant 0 : i32
      %lt3A_436 = arith.cmpi slt, %select_n3A_429, %lt3A_435 : i32
      %ne3A_437 = arith.xori %lt3A_434, %lt3A_436 : i1
      %and3A_438 = arith.andi %ne3A_437, %ne3A_432 : i1
      %add3A_439 = arith.addi %rem3A_430, %select_n3A_429 : i32
      %select_n3A_440 = arith.select %and3A_438, %add3A_439, %rem3A_430 : i32
      %mul3A_441 = arith.constant 8 : i32
      %mul3A_442 = arith.muli %select_n3A_440, %mul3A_441 : i32
      %add3A_443 = arith.constant 3 : i32
      %add3A_444 = arith.addi %mul3A_442, %add3A_443 : i32
      %eq3A_445 = vector.broadcast %add3A_444 : i32 to vector<16xi32>
      %eq3A_446 = arith.cmpi eq, %iota3A, %eq3A_445 : vector<16xi32>
      %broadcast_in_dim3A_447 = vector.broadcast %reduce_sum3A_424 : f32 to vector<16xf32>
      %select_n3A_448 = arith.select %eq3A_446, %broadcast_in_dim3A_447, %select_n3A_376 : vector<16xi1>, vector<16xf32>
      %mul3A_449 = arith.constant 8 : i32
      %mul3A_450 = arith.muli %scan3A_170, %mul3A_449 : i32
      %add3A_451 = arith.constant 4 : i32
      %add3A_452 = arith.addi %mul3A_450, %add3A_451 : i32
      %dma_wait3A_453 = arith.constant 0 : i32
      %dma_wait3A_454 = arith.constant 0 : i32
      %dma_wait3A_455 = tpu.memref_slice %arg11[%dma_wait3A_453, %dma_wait3A_454] : memref<200x32xf32, #tpu.memory_space<vmem>> -> memref<100x32xf32, #tpu.memory_space<vmem>>
      %dma_wait3A_456 = arith.constant 0 : i32
      %dma_wait3A_457 = arith.constant 0 : i32
      %dma_wait3A_458 = tpu.memref_slice %arg3[%dma_wait3A_456, %dma_wait3A_457] : memref<1000000x32xf32, #tpu.memory_space<hbm>> -> memref<100x32xf32, #tpu.memory_space<hbm>>
      %dma_wait3A_459 = arith.constant 0 : i32
      %dma_wait3A_460 = arith.constant 0 : i32
      %dma_wait3A_461 = tpu.memref_slice %arg11[%dma_wait3A_459, %dma_wait3A_460] : memref<200x32xf32, #tpu.memory_space<vmem>> -> memref<100x32xf32, #tpu.memory_space<vmem>>
      %dma_wait3A_462 = arith.constant 0 : i32
      %dma_wait3A_463 = arith.constant 0 : i32
      %dma_wait3A_464 = tpu.memref_slice %arg3[%dma_wait3A_462, %dma_wait3A_463] : memref<1000000x32xf32, #tpu.memory_space<hbm>> -> memref<100x32xf32, #tpu.memory_space<hbm>>
      tpu.wait_dma2 semaphore(%arg21 : memref<!tpu.dma_semaphore, #tpu.memory_space<semaphore_mem>>) src(%dma_wait3A_464 : memref<100x32xf32, #tpu.memory_space<hbm>>) dst(%dma_wait3A_461 : memref<100x32xf32, #tpu.memory_space<vmem>>)
      %dma_wait3A_465 = arith.constant 100 : i32
      %dma_wait3A_466 = arith.constant 0 : i32
      %dma_wait3A_467 = tpu.memref_slice %arg11[%dma_wait3A_465, %dma_wait3A_466] : memref<200x32xf32, #tpu.memory_space<vmem>> -> memref<100x32xf32, #tpu.memory_space<vmem>>
      %dma_wait3A_468 = arith.constant 0 : i32
      %dma_wait3A_469 = arith.constant 0 : i32
      %dma_wait3A_470 = tpu.memref_slice %arg3[%dma_wait3A_468, %dma_wait3A_469] : memref<1000000x32xf32, #tpu.memory_space<hbm>> -> memref<100x32xf32, #tpu.memory_space<hbm>>
      %dma_wait3A_471 = arith.constant 100 : i32
      %dma_wait3A_472 = arith.constant 0 : i32
      %dma_wait3A_473 = tpu.memref_slice %arg11[%dma_wait3A_471, %dma_wait3A_472] : memref<200x32xf32, #tpu.memory_space<vmem>> -> memref<100x32xf32, #tpu.memory_space<vmem>>
      %dma_wait3A_474 = arith.constant 0 : i32
      %dma_wait3A_475 = arith.constant 0 : i32
      %dma_wait3A_476 = tpu.memref_slice %arg3[%dma_wait3A_474, %dma_wait3A_475] : memref<1000000x32xf32, #tpu.memory_space<hbm>> -> memref<100x32xf32, #tpu.memory_space<hbm>>
      tpu.wait_dma2 semaphore(%arg21 : memref<!tpu.dma_semaphore, #tpu.memory_space<semaphore_mem>>) src(%dma_wait3A_476 : memref<100x32xf32, #tpu.memory_space<hbm>>) dst(%dma_wait3A_473 : memref<100x32xf32, #tpu.memory_space<vmem>>)
      %lt3A_477 = arith.constant 15 : i32
      %lt3A_478 = arith.cmpi slt, %scan3A_170, %lt3A_477 : i32
      %convert_element_type3A_479 = arith.extui %lt3A_478 : i1 to i32
      %cond3A_480 = arith.constant 0 : i32
      %cond3A_481 = arith.cmpi ne, %convert_element_type3A_479, %cond3A_480 : i32
      scf.if %cond3A_481 {
        %add3A_779 = arith.constant 8 : i32
        %add3A_780 = arith.addi %add3A_452, %add3A_779 : i32
        %mul3A_781 = arith.constant 2 : i32
        %mul3A_782 = arith.muli %mul3A_781, %add3A_780 : i32
        %dma_start3A_783 = arith.constant 0 : i32
        %dma_start3A_784 = arith.constant 0 : i32
        %dma_start3A_785 = tpu.memref_slice %arg11[%dma_start3A_783, %dma_start3A_784] : memref<200x32xf32, #tpu.memory_space<vmem>> -> memref<100x32xf32, #tpu.memory_space<vmem>>
        %dma_start3A_786 = arith.constant 0 : i32
        %dma_start3A_787 = tpu.memref_slice %arg6[%mul3A_782, %dma_start3A_786] : memref<256x100xi32, #tpu.memory_space<vmem>> -> memref<1x100xi32, #tpu.memory_space<vmem>>
        %dma_start3A_788 = tpu.memref_squeeze %dma_start3A_787 : memref<1x100xi32, #tpu.memory_space<vmem>> -> memref<100xi32, #tpu.memory_space<vmem>>
        %dma_start3A_789 = arith.constant 0 : i32
        %dma_start3A_790 = arith.constant 0 : i32
        %dma_start3A_791 = tpu.memref_slice %arg3[%dma_start3A_789, %dma_start3A_790] : memref<1000000x32xf32, #tpu.memory_space<hbm>> -> memref<1000000x32xf32, #tpu.memory_space<hbm>>
        tpu.enqueue_indirect_dma source(%dma_start3A_791 : memref<1000000x32xf32, #tpu.memory_space<hbm>>) target(%dma_start3A_785 : memref<100x32xf32, #tpu.memory_space<vmem>>) offsets(%dma_start3A_788 : memref<100xi32, #tpu.memory_space<vmem>>) semaphore(%arg21 : memref<!tpu.dma_semaphore, #tpu.memory_space<semaphore_mem>>)
        %mul3A_792 = arith.constant 2 : i32
        %mul3A_793 = arith.muli %mul3A_792, %add3A_780 : i32
        %add3A_794 = arith.constant 1 : i32
        %add3A_795 = arith.addi %mul3A_793, %add3A_794 : i32
        %dma_start3A_796 = arith.constant 100 : i32
        %dma_start3A_797 = arith.constant 0 : i32
        %dma_start3A_798 = tpu.memref_slice %arg11[%dma_start3A_796, %dma_start3A_797] : memref<200x32xf32, #tpu.memory_space<vmem>> -> memref<100x32xf32, #tpu.memory_space<vmem>>
        %dma_start3A_799 = arith.constant 0 : i32
        %dma_start3A_800 = tpu.memref_slice %arg6[%add3A_795, %dma_start3A_799] : memref<256x100xi32, #tpu.memory_space<vmem>> -> memref<1x100xi32, #tpu.memory_space<vmem>>
        %dma_start3A_801 = tpu.memref_squeeze %dma_start3A_800 : memref<1x100xi32, #tpu.memory_space<vmem>> -> memref<100xi32, #tpu.memory_space<vmem>>
        %dma_start3A_802 = arith.constant 0 : i32
        %dma_start3A_803 = arith.constant 0 : i32
        %dma_start3A_804 = tpu.memref_slice %arg3[%dma_start3A_802, %dma_start3A_803] : memref<1000000x32xf32, #tpu.memory_space<hbm>> -> memref<1000000x32xf32, #tpu.memory_space<hbm>>
        tpu.enqueue_indirect_dma source(%dma_start3A_804 : memref<1000000x32xf32, #tpu.memory_space<hbm>>) target(%dma_start3A_798 : memref<100x32xf32, #tpu.memory_space<vmem>>) offsets(%dma_start3A_801 : memref<100xi32, #tpu.memory_space<vmem>>) semaphore(%arg21 : memref<!tpu.dma_semaphore, #tpu.memory_space<semaphore_mem>>)
      } else {
      }
      %broadcast_in_dim3A_482 = arith.constant 0.000000e+00 : f32
      %broadcast_in_dim3A_483 = vector.broadcast %broadcast_in_dim3A_482 : f32 to vector<16xf32>
      %broadcast_in_dim3A_484 = arith.constant 0.000000e+00 : f32
      %broadcast_in_dim3A_485 = vector.broadcast %broadcast_in_dim3A_484 : f32 to vector<16xf32>
      %scan3A_486 = arith.constant 0 : i32
      %scan3A_487 = arith.constant 50 : i32
      %scan3A_488 = arith.addi %scan3A_486, %scan3A_487 : i32
      %scan3A_489 = arith.constant 1 : i32
      %scan3A_490:2 = scf.for %scan3A_779 = %scan3A_486 to %scan3A_488 step %scan3A_489 iter_args(%scan3A_780 = %broadcast_in_dim3A_483, %scan3A_781 = %broadcast_in_dim3A_485) -> (vector<16xf32>, vector<16xf32>)  : i32 {
        %mul3A_782 = arith.constant 4 : i32
        %mul3A_783 = arith.muli %scan3A_779, %mul3A_782 : i32
        %add3A_784 = arith.constant 0 : i32
        %add3A_785 = arith.addi %mul3A_783, %add3A_784 : i32
        %get3A = arith.index_cast %add3A_785 : i32 to index
        %get3A_786 = arith.constant 0 : index
        %get3A_787 = tpu.vector_load %arg11[%get3A, %get3A_786] {strides = array<i32>} : memref<200x32xf32, #tpu.memory_space<vmem>>, vector<16xf32>,
        %get3A_788 = arith.index_cast %add3A_785 : i32 to index
        %get3A_789 = arith.constant 0 : index
        %get3A_790 = tpu.vector_load %arg15[%get3A_788, %get3A_789] {strides = array<i32>} : memref<200x32xf32, #tpu.memory_space<vmem>>, vector<16xf32>,
        %mul3A_791 = arith.mulf %get3A_787, %get3A_790 : vector<16xf32>
        %add3A_792 = arith.addf %scan3A_780, %mul3A_791 : vector<16xf32>
        %get3A_793 = arith.index_cast %add3A_785 : i32 to index
        %get3A_794 = arith.constant 16 : index
        %get3A_795 = tpu.vector_load %arg11[%get3A_793, %get3A_794] {strides = array<i32>} : memref<200x32xf32, #tpu.memory_space<vmem>>, vector<16xf32>,
        %get3A_796 = arith.index_cast %add3A_785 : i32 to index
        %get3A_797 = arith.constant 16 : index
        %get3A_798 = tpu.vector_load %arg15[%get3A_796, %get3A_797] {strides = array<i32>} : memref<200x32xf32, #tpu.memory_space<vmem>>, vector<16xf32>,
        %mul3A_799 = arith.mulf %get3A_795, %get3A_798 : vector<16xf32>
        %add3A_800 = arith.addf %scan3A_781, %mul3A_799 : vector<16xf32>
        %mul3A_801 = arith.constant 4 : i32
        %mul3A_802 = arith.muli %scan3A_779, %mul3A_801 : i32
        %add3A_803 = arith.constant 1 : i32
        %add3A_804 = arith.addi %mul3A_802, %add3A_803 : i32
        %get3A_805 = arith.index_cast %add3A_804 : i32 to index
        %get3A_806 = arith.constant 0 : index
        %get3A_807 = tpu.vector_load %arg11[%get3A_805, %get3A_806] {strides = array<i32>} : memref<200x32xf32, #tpu.memory_space<vmem>>, vector<16xf32>,
        %get3A_808 = arith.index_cast %add3A_804 : i32 to index
        %get3A_809 = arith.constant 0 : index
        %get3A_810 = tpu.vector_load %arg15[%get3A_808, %get3A_809] {strides = array<i32>} : memref<200x32xf32, #tpu.memory_space<vmem>>, vector<16xf32>,
        %mul3A_811 = arith.mulf %get3A_807, %get3A_810 : vector<16xf32>
        %add3A_812 = arith.addf %add3A_792, %mul3A_811 : vector<16xf32>
        %get3A_813 = arith.index_cast %add3A_804 : i32 to index
        %get3A_814 = arith.constant 16 : index
        %get3A_815 = tpu.vector_load %arg11[%get3A_813, %get3A_814] {strides = array<i32>} : memref<200x32xf32, #tpu.memory_space<vmem>>, vector<16xf32>,
        %get3A_816 = arith.index_cast %add3A_804 : i32 to index
        %get3A_817 = arith.constant 16 : index
        %get3A_818 = tpu.vector_load %arg15[%get3A_816, %get3A_817] {strides = array<i32>} : memref<200x32xf32, #tpu.memory_space<vmem>>, vector<16xf32>,
        %mul3A_819 = arith.mulf %get3A_815, %get3A_818 : vector<16xf32>
        %add3A_820 = arith.addf %add3A_800, %mul3A_819 : vector<16xf32>
        %mul3A_821 = arith.constant 4 : i32
        %mul3A_822 = arith.muli %scan3A_779, %mul3A_821 : i32
        %add3A_823 = arith.constant 2 : i32
        %add3A_824 = arith.addi %mul3A_822, %add3A_823 : i32
        %get3A_825 = arith.index_cast %add3A_824 : i32 to index
        %get3A_826 = arith.constant 0 : index
        %get3A_827 = tpu.vector_load %arg11[%get3A_825, %get3A_826] {strides = array<i32>} : memref<200x32xf32, #tpu.memory_space<vmem>>, vector<16xf32>,
        %get3A_828 = arith.index_cast %add3A_824 : i32 to index
        %get3A_829 = arith.constant 0 : index
        %get3A_830 = tpu.vector_load %arg15[%get3A_828, %get3A_829] {strides = array<i32>} : memref<200x32xf32, #tpu.memory_space<vmem>>, vector<16xf32>,
        %mul3A_831 = arith.mulf %get3A_827, %get3A_830 : vector<16xf32>
        %add3A_832 = arith.addf %add3A_812, %mul3A_831 : vector<16xf32>
        %get3A_833 = arith.index_cast %add3A_824 : i32 to index
        %get3A_834 = arith.constant 16 : index
        %get3A_835 = tpu.vector_load %arg11[%get3A_833, %get3A_834] {strides = array<i32>} : memref<200x32xf32, #tpu.memory_space<vmem>>, vector<16xf32>,
        %get3A_836 = arith.index_cast %add3A_824 : i32 to index
        %get3A_837 = arith.constant 16 : index
        %get3A_838 = tpu.vector_load %arg15[%get3A_836, %get3A_837] {strides = array<i32>} : memref<200x32xf32, #tpu.memory_space<vmem>>, vector<16xf32>,
        %mul3A_839 = arith.mulf %get3A_835, %get3A_838 : vector<16xf32>
        %add3A_840 = arith.addf %add3A_820, %mul3A_839 : vector<16xf32>
        %mul3A_841 = arith.constant 4 : i32
        %mul3A_842 = arith.muli %scan3A_779, %mul3A_841 : i32
        %add3A_843 = arith.constant 3 : i32
        %add3A_844 = arith.addi %mul3A_842, %add3A_843 : i32
        %get3A_845 = arith.index_cast %add3A_844 : i32 to index
        %get3A_846 = arith.constant 0 : index
        %get3A_847 = tpu.vector_load %arg11[%get3A_845, %get3A_846] {strides = array<i32>} : memref<200x32xf32, #tpu.memory_space<vmem>>, vector<16xf32>,
        %get3A_848 = arith.index_cast %add3A_844 : i32 to index
        %get3A_849 = arith.constant 0 : index
        %get3A_850 = tpu.vector_load %arg15[%get3A_848, %get3A_849] {strides = array<i32>} : memref<200x32xf32, #tpu.memory_space<vmem>>, vector<16xf32>,
        %mul3A_851 = arith.mulf %get3A_847, %get3A_850 : vector<16xf32>
        %add3A_852 = arith.addf %add3A_832, %mul3A_851 : vector<16xf32>
        %get3A_853 = arith.index_cast %add3A_844 : i32 to index
        %get3A_854 = arith.constant 16 : index
        %get3A_855 = tpu.vector_load %arg11[%get3A_853, %get3A_854] {strides = array<i32>} : memref<200x32xf32, #tpu.memory_space<vmem>>, vector<16xf32>,
        %get3A_856 = arith.index_cast %add3A_844 : i32 to index
        %get3A_857 = arith.constant 16 : index
        %get3A_858 = tpu.vector_load %arg15[%get3A_856, %get3A_857] {strides = array<i32>} : memref<200x32xf32, #tpu.memory_space<vmem>>, vector<16xf32>,
        %mul3A_859 = arith.mulf %get3A_855, %get3A_858 : vector<16xf32>
        %add3A_860 = arith.addf %add3A_840, %mul3A_859 : vector<16xf32>
        scf.yield %add3A_852, %add3A_860 : vector<16xf32>, vector<16xf32>
      }
      %scan3A_491 = arith.constant 50 : i32
      %add3A_492 = arith.addf %scan3A_490#0, %scan3A_490#1 : vector<16xf32>
      %reduce_sum3A_493 = arith.constant true
      %reduce_sum3A_494 = vector.broadcast %reduce_sum3A_493 : i1 to vector<16xi1>
      %reduce_sum3A_495 = tpu.scan <sum>, %add3A_492 masked %reduce_sum3A_494 : vector<16xf32>, vector<16xi1> -> vector<16xf32>
      %reduce_sum3A_496 = vector.extract %reduce_sum3A_495[15] : f32 from vector<16xf32>
      %jit3A_497 = arith.constant 2 : i32
      %eq3A_498 = arith.constant 0 : i32
      %eq3A_499 = arith.cmpi eq, %jit3A_497, %eq3A_498 : i32
      %jit3A_500 = arith.constant 1 : i32
      %select_n3A_501 = arith.select %eq3A_499, %jit3A_500, %jit3A_497 : i32
      %rem3A_502 = arith.remsi %scan3A_170, %select_n3A_501 : i32
      %ne3A_503 = arith.constant 0 : i32
      %ne3A_504 = arith.cmpi ne, %rem3A_502, %ne3A_503 : i32
      %lt3A_505 = arith.constant 0 : i32
      %lt3A_506 = arith.cmpi slt, %rem3A_502, %lt3A_505 : i32
      %lt3A_507 = arith.constant 0 : i32
      %lt3A_508 = arith.cmpi slt, %select_n3A_501, %lt3A_507 : i32
      %ne3A_509 = arith.xori %lt3A_506, %lt3A_508 : i1
      %and3A_510 = arith.andi %ne3A_509, %ne3A_504 : i1
      %add3A_511 = arith.addi %rem3A_502, %select_n3A_501 : i32
      %select_n3A_512 = arith.select %and3A_510, %add3A_511, %rem3A_502 : i32
      %mul3A_513 = arith.constant 8 : i32
      %mul3A_514 = arith.muli %select_n3A_512, %mul3A_513 : i32
      %add3A_515 = arith.constant 4 : i32
      %add3A_516 = arith.addi %mul3A_514, %add3A_515 : i32
      %eq3A_517 = vector.broadcast %add3A_516 : i32 to vector<16xi32>
      %eq3A_518 = arith.cmpi eq, %iota3A, %eq3A_517 : vector<16xi32>
      %broadcast_in_dim3A_519 = vector.broadcast %reduce_sum3A_496 : f32 to vector<16xf32>
      %select_n3A_520 = arith.select %eq3A_518, %broadcast_in_dim3A_519, %select_n3A_448 : vector<16xi1>, vector<16xf32>
      %mul3A_521 = arith.constant 8 : i32
      %mul3A_522 = arith.muli %scan3A_170, %mul3A_521 : i32
      %add3A_523 = arith.constant 5 : i32
      %add3A_524 = arith.addi %mul3A_522, %add3A_523 : i32
      %dma_wait3A_525 = arith.constant 0 : i32
      %dma_wait3A_526 = arith.constant 0 : i32
      %dma_wait3A_527 = tpu.memref_slice %arg12[%dma_wait3A_525, %dma_wait3A_526] : memref<200x32xf32, #tpu.memory_space<vmem>> -> memref<100x32xf32, #tpu.memory_space<vmem>>
      %dma_wait3A_528 = arith.constant 0 : i32
      %dma_wait3A_529 = arith.constant 0 : i32
      %dma_wait3A_530 = tpu.memref_slice %arg3[%dma_wait3A_528, %dma_wait3A_529] : memref<1000000x32xf32, #tpu.memory_space<hbm>> -> memref<100x32xf32, #tpu.memory_space<hbm>>
      %dma_wait3A_531 = arith.constant 0 : i32
      %dma_wait3A_532 = arith.constant 0 : i32
      %dma_wait3A_533 = tpu.memref_slice %arg12[%dma_wait3A_531, %dma_wait3A_532] : memref<200x32xf32, #tpu.memory_space<vmem>> -> memref<100x32xf32, #tpu.memory_space<vmem>>
      %dma_wait3A_534 = arith.constant 0 : i32
      %dma_wait3A_535 = arith.constant 0 : i32
      %dma_wait3A_536 = tpu.memref_slice %arg3[%dma_wait3A_534, %dma_wait3A_535] : memref<1000000x32xf32, #tpu.memory_space<hbm>> -> memref<100x32xf32, #tpu.memory_space<hbm>>
      tpu.wait_dma2 semaphore(%arg22 : memref<!tpu.dma_semaphore, #tpu.memory_space<semaphore_mem>>) src(%dma_wait3A_536 : memref<100x32xf32, #tpu.memory_space<hbm>>) dst(%dma_wait3A_533 : memref<100x32xf32, #tpu.memory_space<vmem>>)
      %dma_wait3A_537 = arith.constant 100 : i32
      %dma_wait3A_538 = arith.constant 0 : i32
      %dma_wait3A_539 = tpu.memref_slice %arg12[%dma_wait3A_537, %dma_wait3A_538] : memref<200x32xf32, #tpu.memory_space<vmem>> -> memref<100x32xf32, #tpu.memory_space<vmem>>
      %dma_wait3A_540 = arith.constant 0 : i32
      %dma_wait3A_541 = arith.constant 0 : i32
      %dma_wait3A_542 = tpu.memref_slice %arg3[%dma_wait3A_540, %dma_wait3A_541] : memref<1000000x32xf32, #tpu.memory_space<hbm>> -> memref<100x32xf32, #tpu.memory_space<hbm>>
      %dma_wait3A_543 = arith.constant 100 : i32
      %dma_wait3A_544 = arith.constant 0 : i32
      %dma_wait3A_545 = tpu.memref_slice %arg12[%dma_wait3A_543, %dma_wait3A_544] : memref<200x32xf32, #tpu.memory_space<vmem>> -> memref<100x32xf32, #tpu.memory_space<vmem>>
      %dma_wait3A_546 = arith.constant 0 : i32
      %dma_wait3A_547 = arith.constant 0 : i32
      %dma_wait3A_548 = tpu.memref_slice %arg3[%dma_wait3A_546, %dma_wait3A_547] : memref<1000000x32xf32, #tpu.memory_space<hbm>> -> memref<100x32xf32, #tpu.memory_space<hbm>>
      tpu.wait_dma2 semaphore(%arg22 : memref<!tpu.dma_semaphore, #tpu.memory_space<semaphore_mem>>) src(%dma_wait3A_548 : memref<100x32xf32, #tpu.memory_space<hbm>>) dst(%dma_wait3A_545 : memref<100x32xf32, #tpu.memory_space<vmem>>)
      %lt3A_549 = arith.constant 15 : i32
      %lt3A_550 = arith.cmpi slt, %scan3A_170, %lt3A_549 : i32
      %convert_element_type3A_551 = arith.extui %lt3A_550 : i1 to i32
      %cond3A_552 = arith.constant 0 : i32
      %cond3A_553 = arith.cmpi ne, %convert_element_type3A_551, %cond3A_552 : i32
      scf.if %cond3A_553 {
        %add3A_779 = arith.constant 8 : i32
        %add3A_780 = arith.addi %add3A_524, %add3A_779 : i32
        %mul3A_781 = arith.constant 2 : i32
        %mul3A_782 = arith.muli %mul3A_781, %add3A_780 : i32
        %dma_start3A_783 = arith.constant 0 : i32
        %dma_start3A_784 = arith.constant 0 : i32
        %dma_start3A_785 = tpu.memref_slice %arg12[%dma_start3A_783, %dma_start3A_784] : memref<200x32xf32, #tpu.memory_space<vmem>> -> memref<100x32xf32, #tpu.memory_space<vmem>>
        %dma_start3A_786 = arith.constant 0 : i32
        %dma_start3A_787 = tpu.memref_slice %arg6[%mul3A_782, %dma_start3A_786] : memref<256x100xi32, #tpu.memory_space<vmem>> -> memref<1x100xi32, #tpu.memory_space<vmem>>
        %dma_start3A_788 = tpu.memref_squeeze %dma_start3A_787 : memref<1x100xi32, #tpu.memory_space<vmem>> -> memref<100xi32, #tpu.memory_space<vmem>>
        %dma_start3A_789 = arith.constant 0 : i32
        %dma_start3A_790 = arith.constant 0 : i32
        %dma_start3A_791 = tpu.memref_slice %arg3[%dma_start3A_789, %dma_start3A_790] : memref<1000000x32xf32, #tpu.memory_space<hbm>> -> memref<1000000x32xf32, #tpu.memory_space<hbm>>
        tpu.enqueue_indirect_dma source(%dma_start3A_791 : memref<1000000x32xf32, #tpu.memory_space<hbm>>) target(%dma_start3A_785 : memref<100x32xf32, #tpu.memory_space<vmem>>) offsets(%dma_start3A_788 : memref<100xi32, #tpu.memory_space<vmem>>) semaphore(%arg22 : memref<!tpu.dma_semaphore, #tpu.memory_space<semaphore_mem>>)
        %mul3A_792 = arith.constant 2 : i32
        %mul3A_793 = arith.muli %mul3A_792, %add3A_780 : i32
        %add3A_794 = arith.constant 1 : i32
        %add3A_795 = arith.addi %mul3A_793, %add3A_794 : i32
        %dma_start3A_796 = arith.constant 100 : i32
        %dma_start3A_797 = arith.constant 0 : i32
        %dma_start3A_798 = tpu.memref_slice %arg12[%dma_start3A_796, %dma_start3A_797] : memref<200x32xf32, #tpu.memory_space<vmem>> -> memref<100x32xf32, #tpu.memory_space<vmem>>
        %dma_start3A_799 = arith.constant 0 : i32
        %dma_start3A_800 = tpu.memref_slice %arg6[%add3A_795, %dma_start3A_799] : memref<256x100xi32, #tpu.memory_space<vmem>> -> memref<1x100xi32, #tpu.memory_space<vmem>>
        %dma_start3A_801 = tpu.memref_squeeze %dma_start3A_800 : memref<1x100xi32, #tpu.memory_space<vmem>> -> memref<100xi32, #tpu.memory_space<vmem>>
        %dma_start3A_802 = arith.constant 0 : i32
        %dma_start3A_803 = arith.constant 0 : i32
        %dma_start3A_804 = tpu.memref_slice %arg3[%dma_start3A_802, %dma_start3A_803] : memref<1000000x32xf32, #tpu.memory_space<hbm>> -> memref<1000000x32xf32, #tpu.memory_space<hbm>>
        tpu.enqueue_indirect_dma source(%dma_start3A_804 : memref<1000000x32xf32, #tpu.memory_space<hbm>>) target(%dma_start3A_798 : memref<100x32xf32, #tpu.memory_space<vmem>>) offsets(%dma_start3A_801 : memref<100xi32, #tpu.memory_space<vmem>>) semaphore(%arg22 : memref<!tpu.dma_semaphore, #tpu.memory_space<semaphore_mem>>)
      } else {
      }
      %broadcast_in_dim3A_554 = arith.constant 0.000000e+00 : f32
      %broadcast_in_dim3A_555 = vector.broadcast %broadcast_in_dim3A_554 : f32 to vector<16xf32>
      %broadcast_in_dim3A_556 = arith.constant 0.000000e+00 : f32
      %broadcast_in_dim3A_557 = vector.broadcast %broadcast_in_dim3A_556 : f32 to vector<16xf32>
      %scan3A_558 = arith.constant 0 : i32
      %scan3A_559 = arith.constant 50 : i32
      %scan3A_560 = arith.addi %scan3A_558, %scan3A_559 : i32
      %scan3A_561 = arith.constant 1 : i32
      %scan3A_562:2 = scf.for %scan3A_779 = %scan3A_558 to %scan3A_560 step %scan3A_561 iter_args(%scan3A_780 = %broadcast_in_dim3A_555, %scan3A_781 = %broadcast_in_dim3A_557) -> (vector<16xf32>, vector<16xf32>)  : i32 {
        %mul3A_782 = arith.constant 4 : i32
        %mul3A_783 = arith.muli %scan3A_779, %mul3A_782 : i32
        %add3A_784 = arith.constant 0 : i32
        %add3A_785 = arith.addi %mul3A_783, %add3A_784 : i32
        %get3A = arith.index_cast %add3A_785 : i32 to index
        %get3A_786 = arith.constant 0 : index
        %get3A_787 = tpu.vector_load %arg12[%get3A, %get3A_786] {strides = array<i32>} : memref<200x32xf32, #tpu.memory_space<vmem>>, vector<16xf32>,
        %get3A_788 = arith.index_cast %add3A_785 : i32 to index
        %get3A_789 = arith.constant 0 : index
        %get3A_790 = tpu.vector_load %arg15[%get3A_788, %get3A_789] {strides = array<i32>} : memref<200x32xf32, #tpu.memory_space<vmem>>, vector<16xf32>,
        %mul3A_791 = arith.mulf %get3A_787, %get3A_790 : vector<16xf32>
        %add3A_792 = arith.addf %scan3A_780, %mul3A_791 : vector<16xf32>
        %get3A_793 = arith.index_cast %add3A_785 : i32 to index
        %get3A_794 = arith.constant 16 : index
        %get3A_795 = tpu.vector_load %arg12[%get3A_793, %get3A_794] {strides = array<i32>} : memref<200x32xf32, #tpu.memory_space<vmem>>, vector<16xf32>,
        %get3A_796 = arith.index_cast %add3A_785 : i32 to index
        %get3A_797 = arith.constant 16 : index
        %get3A_798 = tpu.vector_load %arg15[%get3A_796, %get3A_797] {strides = array<i32>} : memref<200x32xf32, #tpu.memory_space<vmem>>, vector<16xf32>,
        %mul3A_799 = arith.mulf %get3A_795, %get3A_798 : vector<16xf32>
        %add3A_800 = arith.addf %scan3A_781, %mul3A_799 : vector<16xf32>
        %mul3A_801 = arith.constant 4 : i32
        %mul3A_802 = arith.muli %scan3A_779, %mul3A_801 : i32
        %add3A_803 = arith.constant 1 : i32
        %add3A_804 = arith.addi %mul3A_802, %add3A_803 : i32
        %get3A_805 = arith.index_cast %add3A_804 : i32 to index
        %get3A_806 = arith.constant 0 : index
        %get3A_807 = tpu.vector_load %arg12[%get3A_805, %get3A_806] {strides = array<i32>} : memref<200x32xf32, #tpu.memory_space<vmem>>, vector<16xf32>,
        %get3A_808 = arith.index_cast %add3A_804 : i32 to index
        %get3A_809 = arith.constant 0 : index
        %get3A_810 = tpu.vector_load %arg15[%get3A_808, %get3A_809] {strides = array<i32>} : memref<200x32xf32, #tpu.memory_space<vmem>>, vector<16xf32>,
        %mul3A_811 = arith.mulf %get3A_807, %get3A_810 : vector<16xf32>
        %add3A_812 = arith.addf %add3A_792, %mul3A_811 : vector<16xf32>
        %get3A_813 = arith.index_cast %add3A_804 : i32 to index
        %get3A_814 = arith.constant 16 : index
        %get3A_815 = tpu.vector_load %arg12[%get3A_813, %get3A_814] {strides = array<i32>} : memref<200x32xf32, #tpu.memory_space<vmem>>, vector<16xf32>,
        %get3A_816 = arith.index_cast %add3A_804 : i32 to index
        %get3A_817 = arith.constant 16 : index
        %get3A_818 = tpu.vector_load %arg15[%get3A_816, %get3A_817] {strides = array<i32>} : memref<200x32xf32, #tpu.memory_space<vmem>>, vector<16xf32>,
        %mul3A_819 = arith.mulf %get3A_815, %get3A_818 : vector<16xf32>
        %add3A_820 = arith.addf %add3A_800, %mul3A_819 : vector<16xf32>
        %mul3A_821 = arith.constant 4 : i32
        %mul3A_822 = arith.muli %scan3A_779, %mul3A_821 : i32
        %add3A_823 = arith.constant 2 : i32
        %add3A_824 = arith.addi %mul3A_822, %add3A_823 : i32
        %get3A_825 = arith.index_cast %add3A_824 : i32 to index
        %get3A_826 = arith.constant 0 : index
        %get3A_827 = tpu.vector_load %arg12[%get3A_825, %get3A_826] {strides = array<i32>} : memref<200x32xf32, #tpu.memory_space<vmem>>, vector<16xf32>,
        %get3A_828 = arith.index_cast %add3A_824 : i32 to index
        %get3A_829 = arith.constant 0 : index
        %get3A_830 = tpu.vector_load %arg15[%get3A_828, %get3A_829] {strides = array<i32>} : memref<200x32xf32, #tpu.memory_space<vmem>>, vector<16xf32>,
        %mul3A_831 = arith.mulf %get3A_827, %get3A_830 : vector<16xf32>
        %add3A_832 = arith.addf %add3A_812, %mul3A_831 : vector<16xf32>
        %get3A_833 = arith.index_cast %add3A_824 : i32 to index
        %get3A_834 = arith.constant 16 : index
        %get3A_835 = tpu.vector_load %arg12[%get3A_833, %get3A_834] {strides = array<i32>} : memref<200x32xf32, #tpu.memory_space<vmem>>, vector<16xf32>,
        %get3A_836 = arith.index_cast %add3A_824 : i32 to index
        %get3A_837 = arith.constant 16 : index
        %get3A_838 = tpu.vector_load %arg15[%get3A_836, %get3A_837] {strides = array<i32>} : memref<200x32xf32, #tpu.memory_space<vmem>>, vector<16xf32>,
        %mul3A_839 = arith.mulf %get3A_835, %get3A_838 : vector<16xf32>
        %add3A_840 = arith.addf %add3A_820, %mul3A_839 : vector<16xf32>
        %mul3A_841 = arith.constant 4 : i32
        %mul3A_842 = arith.muli %scan3A_779, %mul3A_841 : i32
        %add3A_843 = arith.constant 3 : i32
        %add3A_844 = arith.addi %mul3A_842, %add3A_843 : i32
        %get3A_845 = arith.index_cast %add3A_844 : i32 to index
        %get3A_846 = arith.constant 0 : index
        %get3A_847 = tpu.vector_load %arg12[%get3A_845, %get3A_846] {strides = array<i32>} : memref<200x32xf32, #tpu.memory_space<vmem>>, vector<16xf32>,
        %get3A_848 = arith.index_cast %add3A_844 : i32 to index
        %get3A_849 = arith.constant 0 : index
        %get3A_850 = tpu.vector_load %arg15[%get3A_848, %get3A_849] {strides = array<i32>} : memref<200x32xf32, #tpu.memory_space<vmem>>, vector<16xf32>,
        %mul3A_851 = arith.mulf %get3A_847, %get3A_850 : vector<16xf32>
        %add3A_852 = arith.addf %add3A_832, %mul3A_851 : vector<16xf32>
        %get3A_853 = arith.index_cast %add3A_844 : i32 to index
        %get3A_854 = arith.constant 16 : index
        %get3A_855 = tpu.vector_load %arg12[%get3A_853, %get3A_854] {strides = array<i32>} : memref<200x32xf32, #tpu.memory_space<vmem>>, vector<16xf32>,
        %get3A_856 = arith.index_cast %add3A_844 : i32 to index
        %get3A_857 = arith.constant 16 : index
        %get3A_858 = tpu.vector_load %arg15[%get3A_856, %get3A_857] {strides = array<i32>} : memref<200x32xf32, #tpu.memory_space<vmem>>, vector<16xf32>,
        %mul3A_859 = arith.mulf %get3A_855, %get3A_858 : vector<16xf32>
        %add3A_860 = arith.addf %add3A_840, %mul3A_859 : vector<16xf32>
        scf.yield %add3A_852, %add3A_860 : vector<16xf32>, vector<16xf32>
      }
      %scan3A_563 = arith.constant 50 : i32
      %add3A_564 = arith.addf %scan3A_562#0, %scan3A_562#1 : vector<16xf32>
      %reduce_sum3A_565 = arith.constant true
      %reduce_sum3A_566 = vector.broadcast %reduce_sum3A_565 : i1 to vector<16xi1>
      %reduce_sum3A_567 = tpu.scan <sum>, %add3A_564 masked %reduce_sum3A_566 : vector<16xf32>, vector<16xi1> -> vector<16xf32>
      %reduce_sum3A_568 = vector.extract %reduce_sum3A_567[15] : f32 from vector<16xf32>
      %jit3A_569 = arith.constant 2 : i32
      %eq3A_570 = arith.constant 0 : i32
      %eq3A_571 = arith.cmpi eq, %jit3A_569, %eq3A_570 : i32
      %jit3A_572 = arith.constant 1 : i32
      %select_n3A_573 = arith.select %eq3A_571, %jit3A_572, %jit3A_569 : i32
      %rem3A_574 = arith.remsi %scan3A_170, %select_n3A_573 : i32
      %ne3A_575 = arith.constant 0 : i32
      %ne3A_576 = arith.cmpi ne, %rem3A_574, %ne3A_575 : i32
      %lt3A_577 = arith.constant 0 : i32
      %lt3A_578 = arith.cmpi slt, %rem3A_574, %lt3A_577 : i32
      %lt3A_579 = arith.constant 0 : i32
      %lt3A_580 = arith.cmpi slt, %select_n3A_573, %lt3A_579 : i32
      %ne3A_581 = arith.xori %lt3A_578, %lt3A_580 : i1
      %and3A_582 = arith.andi %ne3A_581, %ne3A_576 : i1
      %add3A_583 = arith.addi %rem3A_574, %select_n3A_573 : i32
      %select_n3A_584 = arith.select %and3A_582, %add3A_583, %rem3A_574 : i32
      %mul3A_585 = arith.constant 8 : i32
      %mul3A_586 = arith.muli %select_n3A_584, %mul3A_585 : i32
      %add3A_587 = arith.constant 5 : i32
      %add3A_588 = arith.addi %mul3A_586, %add3A_587 : i32
      %eq3A_589 = vector.broadcast %add3A_588 : i32 to vector<16xi32>
      %eq3A_590 = arith.cmpi eq, %iota3A, %eq3A_589 : vector<16xi32>
      %broadcast_in_dim3A_591 = vector.broadcast %reduce_sum3A_568 : f32 to vector<16xf32>
      %select_n3A_592 = arith.select %eq3A_590, %broadcast_in_dim3A_591, %select_n3A_520 : vector<16xi1>, vector<16xf32>
      %mul3A_593 = arith.constant 8 : i32
      %mul3A_594 = arith.muli %scan3A_170, %mul3A_593 : i32
      %add3A_595 = arith.constant 6 : i32
      %add3A_596 = arith.addi %mul3A_594, %add3A_595 : i32
      %dma_wait3A_597 = arith.constant 0 : i32
      %dma_wait3A_598 = arith.constant 0 : i32
      %dma_wait3A_599 = tpu.memref_slice %arg13[%dma_wait3A_597, %dma_wait3A_598] : memref<200x32xf32, #tpu.memory_space<vmem>> -> memref<100x32xf32, #tpu.memory_space<vmem>>
      %dma_wait3A_600 = arith.constant 0 : i32
      %dma_wait3A_601 = arith.constant 0 : i32
      %dma_wait3A_602 = tpu.memref_slice %arg3[%dma_wait3A_600, %dma_wait3A_601] : memref<1000000x32xf32, #tpu.memory_space<hbm>> -> memref<100x32xf32, #tpu.memory_space<hbm>>
      %dma_wait3A_603 = arith.constant 0 : i32
      %dma_wait3A_604 = arith.constant 0 : i32
      %dma_wait3A_605 = tpu.memref_slice %arg13[%dma_wait3A_603, %dma_wait3A_604] : memref<200x32xf32, #tpu.memory_space<vmem>> -> memref<100x32xf32, #tpu.memory_space<vmem>>
      %dma_wait3A_606 = arith.constant 0 : i32
      %dma_wait3A_607 = arith.constant 0 : i32
      %dma_wait3A_608 = tpu.memref_slice %arg3[%dma_wait3A_606, %dma_wait3A_607] : memref<1000000x32xf32, #tpu.memory_space<hbm>> -> memref<100x32xf32, #tpu.memory_space<hbm>>
      tpu.wait_dma2 semaphore(%arg23 : memref<!tpu.dma_semaphore, #tpu.memory_space<semaphore_mem>>) src(%dma_wait3A_608 : memref<100x32xf32, #tpu.memory_space<hbm>>) dst(%dma_wait3A_605 : memref<100x32xf32, #tpu.memory_space<vmem>>)
      %dma_wait3A_609 = arith.constant 100 : i32
      %dma_wait3A_610 = arith.constant 0 : i32
      %dma_wait3A_611 = tpu.memref_slice %arg13[%dma_wait3A_609, %dma_wait3A_610] : memref<200x32xf32, #tpu.memory_space<vmem>> -> memref<100x32xf32, #tpu.memory_space<vmem>>
      %dma_wait3A_612 = arith.constant 0 : i32
      %dma_wait3A_613 = arith.constant 0 : i32
      %dma_wait3A_614 = tpu.memref_slice %arg3[%dma_wait3A_612, %dma_wait3A_613] : memref<1000000x32xf32, #tpu.memory_space<hbm>> -> memref<100x32xf32, #tpu.memory_space<hbm>>
      %dma_wait3A_615 = arith.constant 100 : i32
      %dma_wait3A_616 = arith.constant 0 : i32
      %dma_wait3A_617 = tpu.memref_slice %arg13[%dma_wait3A_615, %dma_wait3A_616] : memref<200x32xf32, #tpu.memory_space<vmem>> -> memref<100x32xf32, #tpu.memory_space<vmem>>
      %dma_wait3A_618 = arith.constant 0 : i32
      %dma_wait3A_619 = arith.constant 0 : i32
      %dma_wait3A_620 = tpu.memref_slice %arg3[%dma_wait3A_618, %dma_wait3A_619] : memref<1000000x32xf32, #tpu.memory_space<hbm>> -> memref<100x32xf32, #tpu.memory_space<hbm>>
      tpu.wait_dma2 semaphore(%arg23 : memref<!tpu.dma_semaphore, #tpu.memory_space<semaphore_mem>>) src(%dma_wait3A_620 : memref<100x32xf32, #tpu.memory_space<hbm>>) dst(%dma_wait3A_617 : memref<100x32xf32, #tpu.memory_space<vmem>>)
      %lt3A_621 = arith.constant 15 : i32
      %lt3A_622 = arith.cmpi slt, %scan3A_170, %lt3A_621 : i32
      %convert_element_type3A_623 = arith.extui %lt3A_622 : i1 to i32
      %cond3A_624 = arith.constant 0 : i32
      %cond3A_625 = arith.cmpi ne, %convert_element_type3A_623, %cond3A_624 : i32
      scf.if %cond3A_625 {
        %add3A_779 = arith.constant 8 : i32
        %add3A_780 = arith.addi %add3A_596, %add3A_779 : i32
        %mul3A_781 = arith.constant 2 : i32
        %mul3A_782 = arith.muli %mul3A_781, %add3A_780 : i32
        %dma_start3A_783 = arith.constant 0 : i32
        %dma_start3A_784 = arith.constant 0 : i32
        %dma_start3A_785 = tpu.memref_slice %arg13[%dma_start3A_783, %dma_start3A_784] : memref<200x32xf32, #tpu.memory_space<vmem>> -> memref<100x32xf32, #tpu.memory_space<vmem>>
        %dma_start3A_786 = arith.constant 0 : i32
        %dma_start3A_787 = tpu.memref_slice %arg6[%mul3A_782, %dma_start3A_786] : memref<256x100xi32, #tpu.memory_space<vmem>> -> memref<1x100xi32, #tpu.memory_space<vmem>>
        %dma_start3A_788 = tpu.memref_squeeze %dma_start3A_787 : memref<1x100xi32, #tpu.memory_space<vmem>> -> memref<100xi32, #tpu.memory_space<vmem>>
        %dma_start3A_789 = arith.constant 0 : i32
        %dma_start3A_790 = arith.constant 0 : i32
        %dma_start3A_791 = tpu.memref_slice %arg3[%dma_start3A_789, %dma_start3A_790] : memref<1000000x32xf32, #tpu.memory_space<hbm>> -> memref<1000000x32xf32, #tpu.memory_space<hbm>>
        tpu.enqueue_indirect_dma source(%dma_start3A_791 : memref<1000000x32xf32, #tpu.memory_space<hbm>>) target(%dma_start3A_785 : memref<100x32xf32, #tpu.memory_space<vmem>>) offsets(%dma_start3A_788 : memref<100xi32, #tpu.memory_space<vmem>>) semaphore(%arg23 : memref<!tpu.dma_semaphore, #tpu.memory_space<semaphore_mem>>)
        %mul3A_792 = arith.constant 2 : i32
        %mul3A_793 = arith.muli %mul3A_792, %add3A_780 : i32
        %add3A_794 = arith.constant 1 : i32
        %add3A_795 = arith.addi %mul3A_793, %add3A_794 : i32
        %dma_start3A_796 = arith.constant 100 : i32
        %dma_start3A_797 = arith.constant 0 : i32
        %dma_start3A_798 = tpu.memref_slice %arg13[%dma_start3A_796, %dma_start3A_797] : memref<200x32xf32, #tpu.memory_space<vmem>> -> memref<100x32xf32, #tpu.memory_space<vmem>>
        %dma_start3A_799 = arith.constant 0 : i32
        %dma_start3A_800 = tpu.memref_slice %arg6[%add3A_795, %dma_start3A_799] : memref<256x100xi32, #tpu.memory_space<vmem>> -> memref<1x100xi32, #tpu.memory_space<vmem>>
        %dma_start3A_801 = tpu.memref_squeeze %dma_start3A_800 : memref<1x100xi32, #tpu.memory_space<vmem>> -> memref<100xi32, #tpu.memory_space<vmem>>
        %dma_start3A_802 = arith.constant 0 : i32
        %dma_start3A_803 = arith.constant 0 : i32
        %dma_start3A_804 = tpu.memref_slice %arg3[%dma_start3A_802, %dma_start3A_803] : memref<1000000x32xf32, #tpu.memory_space<hbm>> -> memref<1000000x32xf32, #tpu.memory_space<hbm>>
        tpu.enqueue_indirect_dma source(%dma_start3A_804 : memref<1000000x32xf32, #tpu.memory_space<hbm>>) target(%dma_start3A_798 : memref<100x32xf32, #tpu.memory_space<vmem>>) offsets(%dma_start3A_801 : memref<100xi32, #tpu.memory_space<vmem>>) semaphore(%arg23 : memref<!tpu.dma_semaphore, #tpu.memory_space<semaphore_mem>>)
      } else {
      }
      %broadcast_in_dim3A_626 = arith.constant 0.000000e+00 : f32
      %broadcast_in_dim3A_627 = vector.broadcast %broadcast_in_dim3A_626 : f32 to vector<16xf32>
      %broadcast_in_dim3A_628 = arith.constant 0.000000e+00 : f32
      %broadcast_in_dim3A_629 = vector.broadcast %broadcast_in_dim3A_628 : f32 to vector<16xf32>
      %scan3A_630 = arith.constant 0 : i32
      %scan3A_631 = arith.constant 50 : i32
      %scan3A_632 = arith.addi %scan3A_630, %scan3A_631 : i32
      %scan3A_633 = arith.constant 1 : i32
      %scan3A_634:2 = scf.for %scan3A_779 = %scan3A_630 to %scan3A_632 step %scan3A_633 iter_args(%scan3A_780 = %broadcast_in_dim3A_627, %scan3A_781 = %broadcast_in_dim3A_629) -> (vector<16xf32>, vector<16xf32>)  : i32 {
        %mul3A_782 = arith.constant 4 : i32
        %mul3A_783 = arith.muli %scan3A_779, %mul3A_782 : i32
        %add3A_784 = arith.constant 0 : i32
        %add3A_785 = arith.addi %mul3A_783, %add3A_784 : i32
        %get3A = arith.index_cast %add3A_785 : i32 to index
        %get3A_786 = arith.constant 0 : index
        %get3A_787 = tpu.vector_load %arg13[%get3A, %get3A_786] {strides = array<i32>} : memref<200x32xf32, #tpu.memory_space<vmem>>, vector<16xf32>,
        %get3A_788 = arith.index_cast %add3A_785 : i32 to index
        %get3A_789 = arith.constant 0 : index
        %get3A_790 = tpu.vector_load %arg15[%get3A_788, %get3A_789] {strides = array<i32>} : memref<200x32xf32, #tpu.memory_space<vmem>>, vector<16xf32>,
        %mul3A_791 = arith.mulf %get3A_787, %get3A_790 : vector<16xf32>
        %add3A_792 = arith.addf %scan3A_780, %mul3A_791 : vector<16xf32>
        %get3A_793 = arith.index_cast %add3A_785 : i32 to index
        %get3A_794 = arith.constant 16 : index
        %get3A_795 = tpu.vector_load %arg13[%get3A_793, %get3A_794] {strides = array<i32>} : memref<200x32xf32, #tpu.memory_space<vmem>>, vector<16xf32>,
        %get3A_796 = arith.index_cast %add3A_785 : i32 to index
        %get3A_797 = arith.constant 16 : index
        %get3A_798 = tpu.vector_load %arg15[%get3A_796, %get3A_797] {strides = array<i32>} : memref<200x32xf32, #tpu.memory_space<vmem>>, vector<16xf32>,
        %mul3A_799 = arith.mulf %get3A_795, %get3A_798 : vector<16xf32>
        %add3A_800 = arith.addf %scan3A_781, %mul3A_799 : vector<16xf32>
        %mul3A_801 = arith.constant 4 : i32
        %mul3A_802 = arith.muli %scan3A_779, %mul3A_801 : i32
        %add3A_803 = arith.constant 1 : i32
        %add3A_804 = arith.addi %mul3A_802, %add3A_803 : i32
        %get3A_805 = arith.index_cast %add3A_804 : i32 to index
        %get3A_806 = arith.constant 0 : index
        %get3A_807 = tpu.vector_load %arg13[%get3A_805, %get3A_806] {strides = array<i32>} : memref<200x32xf32, #tpu.memory_space<vmem>>, vector<16xf32>,
        %get3A_808 = arith.index_cast %add3A_804 : i32 to index
        %get3A_809 = arith.constant 0 : index
        %get3A_810 = tpu.vector_load %arg15[%get3A_808, %get3A_809] {strides = array<i32>} : memref<200x32xf32, #tpu.memory_space<vmem>>, vector<16xf32>,
        %mul3A_811 = arith.mulf %get3A_807, %get3A_810 : vector<16xf32>
        %add3A_812 = arith.addf %add3A_792, %mul3A_811 : vector<16xf32>
        %get3A_813 = arith.index_cast %add3A_804 : i32 to index
        %get3A_814 = arith.constant 16 : index
        %get3A_815 = tpu.vector_load %arg13[%get3A_813, %get3A_814] {strides = array<i32>} : memref<200x32xf32, #tpu.memory_space<vmem>>, vector<16xf32>,
        %get3A_816 = arith.index_cast %add3A_804 : i32 to index
        %get3A_817 = arith.constant 16 : index
        %get3A_818 = tpu.vector_load %arg15[%get3A_816, %get3A_817] {strides = array<i32>} : memref<200x32xf32, #tpu.memory_space<vmem>>, vector<16xf32>,
        %mul3A_819 = arith.mulf %get3A_815, %get3A_818 : vector<16xf32>
        %add3A_820 = arith.addf %add3A_800, %mul3A_819 : vector<16xf32>
        %mul3A_821 = arith.constant 4 : i32
        %mul3A_822 = arith.muli %scan3A_779, %mul3A_821 : i32
        %add3A_823 = arith.constant 2 : i32
        %add3A_824 = arith.addi %mul3A_822, %add3A_823 : i32
        %get3A_825 = arith.index_cast %add3A_824 : i32 to index
        %get3A_826 = arith.constant 0 : index
        %get3A_827 = tpu.vector_load %arg13[%get3A_825, %get3A_826] {strides = array<i32>} : memref<200x32xf32, #tpu.memory_space<vmem>>, vector<16xf32>,
        %get3A_828 = arith.index_cast %add3A_824 : i32 to index
        %get3A_829 = arith.constant 0 : index
        %get3A_830 = tpu.vector_load %arg15[%get3A_828, %get3A_829] {strides = array<i32>} : memref<200x32xf32, #tpu.memory_space<vmem>>, vector<16xf32>,
        %mul3A_831 = arith.mulf %get3A_827, %get3A_830 : vector<16xf32>
        %add3A_832 = arith.addf %add3A_812, %mul3A_831 : vector<16xf32>
        %get3A_833 = arith.index_cast %add3A_824 : i32 to index
        %get3A_834 = arith.constant 16 : index
        %get3A_835 = tpu.vector_load %arg13[%get3A_833, %get3A_834] {strides = array<i32>} : memref<200x32xf32, #tpu.memory_space<vmem>>, vector<16xf32>,
        %get3A_836 = arith.index_cast %add3A_824 : i32 to index
        %get3A_837 = arith.constant 16 : index
        %get3A_838 = tpu.vector_load %arg15[%get3A_836, %get3A_837] {strides = array<i32>} : memref<200x32xf32, #tpu.memory_space<vmem>>, vector<16xf32>,
        %mul3A_839 = arith.mulf %get3A_835, %get3A_838 : vector<16xf32>
        %add3A_840 = arith.addf %add3A_820, %mul3A_839 : vector<16xf32>
        %mul3A_841 = arith.constant 4 : i32
        %mul3A_842 = arith.muli %scan3A_779, %mul3A_841 : i32
        %add3A_843 = arith.constant 3 : i32
        %add3A_844 = arith.addi %mul3A_842, %add3A_843 : i32
        %get3A_845 = arith.index_cast %add3A_844 : i32 to index
        %get3A_846 = arith.constant 0 : index
        %get3A_847 = tpu.vector_load %arg13[%get3A_845, %get3A_846] {strides = array<i32>} : memref<200x32xf32, #tpu.memory_space<vmem>>, vector<16xf32>,
        %get3A_848 = arith.index_cast %add3A_844 : i32 to index
        %get3A_849 = arith.constant 0 : index
        %get3A_850 = tpu.vector_load %arg15[%get3A_848, %get3A_849] {strides = array<i32>} : memref<200x32xf32, #tpu.memory_space<vmem>>, vector<16xf32>,
        %mul3A_851 = arith.mulf %get3A_847, %get3A_850 : vector<16xf32>
        %add3A_852 = arith.addf %add3A_832, %mul3A_851 : vector<16xf32>
        %get3A_853 = arith.index_cast %add3A_844 : i32 to index
        %get3A_854 = arith.constant 16 : index
        %get3A_855 = tpu.vector_load %arg13[%get3A_853, %get3A_854] {strides = array<i32>} : memref<200x32xf32, #tpu.memory_space<vmem>>, vector<16xf32>,
        %get3A_856 = arith.index_cast %add3A_844 : i32 to index
        %get3A_857 = arith.constant 16 : index
        %get3A_858 = tpu.vector_load %arg15[%get3A_856, %get3A_857] {strides = array<i32>} : memref<200x32xf32, #tpu.memory_space<vmem>>, vector<16xf32>,
        %mul3A_859 = arith.mulf %get3A_855, %get3A_858 : vector<16xf32>
        %add3A_860 = arith.addf %add3A_840, %mul3A_859 : vector<16xf32>
        scf.yield %add3A_852, %add3A_860 : vector<16xf32>, vector<16xf32>
      }
      %scan3A_635 = arith.constant 50 : i32
      %add3A_636 = arith.addf %scan3A_634#0, %scan3A_634#1 : vector<16xf32>
      %reduce_sum3A_637 = arith.constant true
      %reduce_sum3A_638 = vector.broadcast %reduce_sum3A_637 : i1 to vector<16xi1>
      %reduce_sum3A_639 = tpu.scan <sum>, %add3A_636 masked %reduce_sum3A_638 : vector<16xf32>, vector<16xi1> -> vector<16xf32>
      %reduce_sum3A_640 = vector.extract %reduce_sum3A_639[15] : f32 from vector<16xf32>
      %jit3A_641 = arith.constant 2 : i32
      %eq3A_642 = arith.constant 0 : i32
      %eq3A_643 = arith.cmpi eq, %jit3A_641, %eq3A_642 : i32
      %jit3A_644 = arith.constant 1 : i32
      %select_n3A_645 = arith.select %eq3A_643, %jit3A_644, %jit3A_641 : i32
      %rem3A_646 = arith.remsi %scan3A_170, %select_n3A_645 : i32
      %ne3A_647 = arith.constant 0 : i32
      %ne3A_648 = arith.cmpi ne, %rem3A_646, %ne3A_647 : i32
      %lt3A_649 = arith.constant 0 : i32
      %lt3A_650 = arith.cmpi slt, %rem3A_646, %lt3A_649 : i32
      %lt3A_651 = arith.constant 0 : i32
      %lt3A_652 = arith.cmpi slt, %select_n3A_645, %lt3A_651 : i32
      %ne3A_653 = arith.xori %lt3A_650, %lt3A_652 : i1
      %and3A_654 = arith.andi %ne3A_653, %ne3A_648 : i1
      %add3A_655 = arith.addi %rem3A_646, %select_n3A_645 : i32
      %select_n3A_656 = arith.select %and3A_654, %add3A_655, %rem3A_646 : i32
      %mul3A_657 = arith.constant 8 : i32
      %mul3A_658 = arith.muli %select_n3A_656, %mul3A_657 : i32
      %add3A_659 = arith.constant 6 : i32
      %add3A_660 = arith.addi %mul3A_658, %add3A_659 : i32
      %eq3A_661 = vector.broadcast %add3A_660 : i32 to vector<16xi32>
      %eq3A_662 = arith.cmpi eq, %iota3A, %eq3A_661 : vector<16xi32>
      %broadcast_in_dim3A_663 = vector.broadcast %reduce_sum3A_640 : f32 to vector<16xf32>
      %select_n3A_664 = arith.select %eq3A_662, %broadcast_in_dim3A_663, %select_n3A_592 : vector<16xi1>, vector<16xf32>
      %mul3A_665 = arith.constant 8 : i32
      %mul3A_666 = arith.muli %scan3A_170, %mul3A_665 : i32
      %add3A_667 = arith.constant 7 : i32
      %add3A_668 = arith.addi %mul3A_666, %add3A_667 : i32
      %dma_wait3A_669 = arith.constant 0 : i32
      %dma_wait3A_670 = arith.constant 0 : i32
      %dma_wait3A_671 = tpu.memref_slice %arg14[%dma_wait3A_669, %dma_wait3A_670] : memref<200x32xf32, #tpu.memory_space<vmem>> -> memref<100x32xf32, #tpu.memory_space<vmem>>
      %dma_wait3A_672 = arith.constant 0 : i32
      %dma_wait3A_673 = arith.constant 0 : i32
      %dma_wait3A_674 = tpu.memref_slice %arg3[%dma_wait3A_672, %dma_wait3A_673] : memref<1000000x32xf32, #tpu.memory_space<hbm>> -> memref<100x32xf32, #tpu.memory_space<hbm>>
      %dma_wait3A_675 = arith.constant 0 : i32
      %dma_wait3A_676 = arith.constant 0 : i32
      %dma_wait3A_677 = tpu.memref_slice %arg14[%dma_wait3A_675, %dma_wait3A_676] : memref<200x32xf32, #tpu.memory_space<vmem>> -> memref<100x32xf32, #tpu.memory_space<vmem>>
      %dma_wait3A_678 = arith.constant 0 : i32
      %dma_wait3A_679 = arith.constant 0 : i32
      %dma_wait3A_680 = tpu.memref_slice %arg3[%dma_wait3A_678, %dma_wait3A_679] : memref<1000000x32xf32, #tpu.memory_space<hbm>> -> memref<100x32xf32, #tpu.memory_space<hbm>>
      tpu.wait_dma2 semaphore(%arg24 : memref<!tpu.dma_semaphore, #tpu.memory_space<semaphore_mem>>) src(%dma_wait3A_680 : memref<100x32xf32, #tpu.memory_space<hbm>>) dst(%dma_wait3A_677 : memref<100x32xf32, #tpu.memory_space<vmem>>)
      %dma_wait3A_681 = arith.constant 100 : i32
      %dma_wait3A_682 = arith.constant 0 : i32
      %dma_wait3A_683 = tpu.memref_slice %arg14[%dma_wait3A_681, %dma_wait3A_682] : memref<200x32xf32, #tpu.memory_space<vmem>> -> memref<100x32xf32, #tpu.memory_space<vmem>>
      %dma_wait3A_684 = arith.constant 0 : i32
      %dma_wait3A_685 = arith.constant 0 : i32
      %dma_wait3A_686 = tpu.memref_slice %arg3[%dma_wait3A_684, %dma_wait3A_685] : memref<1000000x32xf32, #tpu.memory_space<hbm>> -> memref<100x32xf32, #tpu.memory_space<hbm>>
      %dma_wait3A_687 = arith.constant 100 : i32
      %dma_wait3A_688 = arith.constant 0 : i32
      %dma_wait3A_689 = tpu.memref_slice %arg14[%dma_wait3A_687, %dma_wait3A_688] : memref<200x32xf32, #tpu.memory_space<vmem>> -> memref<100x32xf32, #tpu.memory_space<vmem>>
      %dma_wait3A_690 = arith.constant 0 : i32
      %dma_wait3A_691 = arith.constant 0 : i32
      %dma_wait3A_692 = tpu.memref_slice %arg3[%dma_wait3A_690, %dma_wait3A_691] : memref<1000000x32xf32, #tpu.memory_space<hbm>> -> memref<100x32xf32, #tpu.memory_space<hbm>>
      tpu.wait_dma2 semaphore(%arg24 : memref<!tpu.dma_semaphore, #tpu.memory_space<semaphore_mem>>) src(%dma_wait3A_692 : memref<100x32xf32, #tpu.memory_space<hbm>>) dst(%dma_wait3A_689 : memref<100x32xf32, #tpu.memory_space<vmem>>)
      %lt3A_693 = arith.constant 15 : i32
      %lt3A_694 = arith.cmpi slt, %scan3A_170, %lt3A_693 : i32
      %convert_element_type3A_695 = arith.extui %lt3A_694 : i1 to i32
      %cond3A_696 = arith.constant 0 : i32
      %cond3A_697 = arith.cmpi ne, %convert_element_type3A_695, %cond3A_696 : i32
      scf.if %cond3A_697 {
        %add3A_779 = arith.constant 8 : i32
        %add3A_780 = arith.addi %add3A_668, %add3A_779 : i32
        %mul3A_781 = arith.constant 2 : i32
        %mul3A_782 = arith.muli %mul3A_781, %add3A_780 : i32
        %dma_start3A_783 = arith.constant 0 : i32
        %dma_start3A_784 = arith.constant 0 : i32
        %dma_start3A_785 = tpu.memref_slice %arg14[%dma_start3A_783, %dma_start3A_784] : memref<200x32xf32, #tpu.memory_space<vmem>> -> memref<100x32xf32, #tpu.memory_space<vmem>>
        %dma_start3A_786 = arith.constant 0 : i32
        %dma_start3A_787 = tpu.memref_slice %arg6[%mul3A_782, %dma_start3A_786] : memref<256x100xi32, #tpu.memory_space<vmem>> -> memref<1x100xi32, #tpu.memory_space<vmem>>
        %dma_start3A_788 = tpu.memref_squeeze %dma_start3A_787 : memref<1x100xi32, #tpu.memory_space<vmem>> -> memref<100xi32, #tpu.memory_space<vmem>>
        %dma_start3A_789 = arith.constant 0 : i32
        %dma_start3A_790 = arith.constant 0 : i32
        %dma_start3A_791 = tpu.memref_slice %arg3[%dma_start3A_789, %dma_start3A_790] : memref<1000000x32xf32, #tpu.memory_space<hbm>> -> memref<1000000x32xf32, #tpu.memory_space<hbm>>
        tpu.enqueue_indirect_dma source(%dma_start3A_791 : memref<1000000x32xf32, #tpu.memory_space<hbm>>) target(%dma_start3A_785 : memref<100x32xf32, #tpu.memory_space<vmem>>) offsets(%dma_start3A_788 : memref<100xi32, #tpu.memory_space<vmem>>) semaphore(%arg24 : memref<!tpu.dma_semaphore, #tpu.memory_space<semaphore_mem>>)
        %mul3A_792 = arith.constant 2 : i32
        %mul3A_793 = arith.muli %mul3A_792, %add3A_780 : i32
        %add3A_794 = arith.constant 1 : i32
        %add3A_795 = arith.addi %mul3A_793, %add3A_794 : i32
        %dma_start3A_796 = arith.constant 100 : i32
        %dma_start3A_797 = arith.constant 0 : i32
        %dma_start3A_798 = tpu.memref_slice %arg14[%dma_start3A_796, %dma_start3A_797] : memref<200x32xf32, #tpu.memory_space<vmem>> -> memref<100x32xf32, #tpu.memory_space<vmem>>
        %dma_start3A_799 = arith.constant 0 : i32
        %dma_start3A_800 = tpu.memref_slice %arg6[%add3A_795, %dma_start3A_799] : memref<256x100xi32, #tpu.memory_space<vmem>> -> memref<1x100xi32, #tpu.memory_space<vmem>>
        %dma_start3A_801 = tpu.memref_squeeze %dma_start3A_800 : memref<1x100xi32, #tpu.memory_space<vmem>> -> memref<100xi32, #tpu.memory_space<vmem>>
        %dma_start3A_802 = arith.constant 0 : i32
        %dma_start3A_803 = arith.constant 0 : i32
        %dma_start3A_804 = tpu.memref_slice %arg3[%dma_start3A_802, %dma_start3A_803] : memref<1000000x32xf32, #tpu.memory_space<hbm>> -> memref<1000000x32xf32, #tpu.memory_space<hbm>>
        tpu.enqueue_indirect_dma source(%dma_start3A_804 : memref<1000000x32xf32, #tpu.memory_space<hbm>>) target(%dma_start3A_798 : memref<100x32xf32, #tpu.memory_space<vmem>>) offsets(%dma_start3A_801 : memref<100xi32, #tpu.memory_space<vmem>>) semaphore(%arg24 : memref<!tpu.dma_semaphore, #tpu.memory_space<semaphore_mem>>)
      } else {
      }
      %broadcast_in_dim3A_698 = arith.constant 0.000000e+00 : f32
      %broadcast_in_dim3A_699 = vector.broadcast %broadcast_in_dim3A_698 : f32 to vector<16xf32>
      %broadcast_in_dim3A_700 = arith.constant 0.000000e+00 : f32
      %broadcast_in_dim3A_701 = vector.broadcast %broadcast_in_dim3A_700 : f32 to vector<16xf32>
      %scan3A_702 = arith.constant 0 : i32
      %scan3A_703 = arith.constant 50 : i32
      %scan3A_704 = arith.addi %scan3A_702, %scan3A_703 : i32
      %scan3A_705 = arith.constant 1 : i32
      %scan3A_706:2 = scf.for %scan3A_779 = %scan3A_702 to %scan3A_704 step %scan3A_705 iter_args(%scan3A_780 = %broadcast_in_dim3A_699, %scan3A_781 = %broadcast_in_dim3A_701) -> (vector<16xf32>, vector<16xf32>)  : i32 {
        %mul3A_782 = arith.constant 4 : i32
        %mul3A_783 = arith.muli %scan3A_779, %mul3A_782 : i32
        %add3A_784 = arith.constant 0 : i32
        %add3A_785 = arith.addi %mul3A_783, %add3A_784 : i32
        %get3A = arith.index_cast %add3A_785 : i32 to index
        %get3A_786 = arith.constant 0 : index
        %get3A_787 = tpu.vector_load %arg14[%get3A, %get3A_786] {strides = array<i32>} : memref<200x32xf32, #tpu.memory_space<vmem>>, vector<16xf32>,
        %get3A_788 = arith.index_cast %add3A_785 : i32 to index
        %get3A_789 = arith.constant 0 : index
        %get3A_790 = tpu.vector_load %arg15[%get3A_788, %get3A_789] {strides = array<i32>} : memref<200x32xf32, #tpu.memory_space<vmem>>, vector<16xf32>,
        %mul3A_791 = arith.mulf %get3A_787, %get3A_790 : vector<16xf32>
        %add3A_792 = arith.addf %scan3A_780, %mul3A_791 : vector<16xf32>
        %get3A_793 = arith.index_cast %add3A_785 : i32 to index
        %get3A_794 = arith.constant 16 : index
        %get3A_795 = tpu.vector_load %arg14[%get3A_793, %get3A_794] {strides = array<i32>} : memref<200x32xf32, #tpu.memory_space<vmem>>, vector<16xf32>,
        %get3A_796 = arith.index_cast %add3A_785 : i32 to index
        %get3A_797 = arith.constant 16 : index
        %get3A_798 = tpu.vector_load %arg15[%get3A_796, %get3A_797] {strides = array<i32>} : memref<200x32xf32, #tpu.memory_space<vmem>>, vector<16xf32>,
        %mul3A_799 = arith.mulf %get3A_795, %get3A_798 : vector<16xf32>
        %add3A_800 = arith.addf %scan3A_781, %mul3A_799 : vector<16xf32>
        %mul3A_801 = arith.constant 4 : i32
        %mul3A_802 = arith.muli %scan3A_779, %mul3A_801 : i32
        %add3A_803 = arith.constant 1 : i32
        %add3A_804 = arith.addi %mul3A_802, %add3A_803 : i32
        %get3A_805 = arith.index_cast %add3A_804 : i32 to index
        %get3A_806 = arith.constant 0 : index
        %get3A_807 = tpu.vector_load %arg14[%get3A_805, %get3A_806] {strides = array<i32>} : memref<200x32xf32, #tpu.memory_space<vmem>>, vector<16xf32>,
        %get3A_808 = arith.index_cast %add3A_804 : i32 to index
        %get3A_809 = arith.constant 0 : index
        %get3A_810 = tpu.vector_load %arg15[%get3A_808, %get3A_809] {strides = array<i32>} : memref<200x32xf32, #tpu.memory_space<vmem>>, vector<16xf32>,
        %mul3A_811 = arith.mulf %get3A_807, %get3A_810 : vector<16xf32>
        %add3A_812 = arith.addf %add3A_792, %mul3A_811 : vector<16xf32>
        %get3A_813 = arith.index_cast %add3A_804 : i32 to index
        %get3A_814 = arith.constant 16 : index
        %get3A_815 = tpu.vector_load %arg14[%get3A_813, %get3A_814] {strides = array<i32>} : memref<200x32xf32, #tpu.memory_space<vmem>>, vector<16xf32>,
        %get3A_816 = arith.index_cast %add3A_804 : i32 to index
        %get3A_817 = arith.constant 16 : index
        %get3A_818 = tpu.vector_load %arg15[%get3A_816, %get3A_817] {strides = array<i32>} : memref<200x32xf32, #tpu.memory_space<vmem>>, vector<16xf32>,
        %mul3A_819 = arith.mulf %get3A_815, %get3A_818 : vector<16xf32>
        %add3A_820 = arith.addf %add3A_800, %mul3A_819 : vector<16xf32>
        %mul3A_821 = arith.constant 4 : i32
        %mul3A_822 = arith.muli %scan3A_779, %mul3A_821 : i32
        %add3A_823 = arith.constant 2 : i32
        %add3A_824 = arith.addi %mul3A_822, %add3A_823 : i32
        %get3A_825 = arith.index_cast %add3A_824 : i32 to index
        %get3A_826 = arith.constant 0 : index
        %get3A_827 = tpu.vector_load %arg14[%get3A_825, %get3A_826] {strides = array<i32>} : memref<200x32xf32, #tpu.memory_space<vmem>>, vector<16xf32>,
        %get3A_828 = arith.index_cast %add3A_824 : i32 to index
        %get3A_829 = arith.constant 0 : index
        %get3A_830 = tpu.vector_load %arg15[%get3A_828, %get3A_829] {strides = array<i32>} : memref<200x32xf32, #tpu.memory_space<vmem>>, vector<16xf32>,
        %mul3A_831 = arith.mulf %get3A_827, %get3A_830 : vector<16xf32>
        %add3A_832 = arith.addf %add3A_812, %mul3A_831 : vector<16xf32>
        %get3A_833 = arith.index_cast %add3A_824 : i32 to index
        %get3A_834 = arith.constant 16 : index
        %get3A_835 = tpu.vector_load %arg14[%get3A_833, %get3A_834] {strides = array<i32>} : memref<200x32xf32, #tpu.memory_space<vmem>>, vector<16xf32>,
        %get3A_836 = arith.index_cast %add3A_824 : i32 to index
        %get3A_837 = arith.constant 16 : index
        %get3A_838 = tpu.vector_load %arg15[%get3A_836, %get3A_837] {strides = array<i32>} : memref<200x32xf32, #tpu.memory_space<vmem>>, vector<16xf32>,
        %mul3A_839 = arith.mulf %get3A_835, %get3A_838 : vector<16xf32>
        %add3A_840 = arith.addf %add3A_820, %mul3A_839 : vector<16xf32>
        %mul3A_841 = arith.constant 4 : i32
        %mul3A_842 = arith.muli %scan3A_779, %mul3A_841 : i32
        %add3A_843 = arith.constant 3 : i32
        %add3A_844 = arith.addi %mul3A_842, %add3A_843 : i32
        %get3A_845 = arith.index_cast %add3A_844 : i32 to index
        %get3A_846 = arith.constant 0 : index
        %get3A_847 = tpu.vector_load %arg14[%get3A_845, %get3A_846] {strides = array<i32>} : memref<200x32xf32, #tpu.memory_space<vmem>>, vector<16xf32>,
        %get3A_848 = arith.index_cast %add3A_844 : i32 to index
        %get3A_849 = arith.constant 0 : index
        %get3A_850 = tpu.vector_load %arg15[%get3A_848, %get3A_849] {strides = array<i32>} : memref<200x32xf32, #tpu.memory_space<vmem>>, vector<16xf32>,
        %mul3A_851 = arith.mulf %get3A_847, %get3A_850 : vector<16xf32>
        %add3A_852 = arith.addf %add3A_832, %mul3A_851 : vector<16xf32>
        %get3A_853 = arith.index_cast %add3A_844 : i32 to index
        %get3A_854 = arith.constant 16 : index
        %get3A_855 = tpu.vector_load %arg14[%get3A_853, %get3A_854] {strides = array<i32>} : memref<200x32xf32, #tpu.memory_space<vmem>>, vector<16xf32>,
        %get3A_856 = arith.index_cast %add3A_844 : i32 to index
        %get3A_857 = arith.constant 16 : index
        %get3A_858 = tpu.vector_load %arg15[%get3A_856, %get3A_857] {strides = array<i32>} : memref<200x32xf32, #tpu.memory_space<vmem>>, vector<16xf32>,
        %mul3A_859 = arith.mulf %get3A_855, %get3A_858 : vector<16xf32>
        %add3A_860 = arith.addf %add3A_840, %mul3A_859 : vector<16xf32>
        scf.yield %add3A_852, %add3A_860 : vector<16xf32>, vector<16xf32>
      }
      %scan3A_707 = arith.constant 50 : i32
      %add3A_708 = arith.addf %scan3A_706#0, %scan3A_706#1 : vector<16xf32>
      %reduce_sum3A_709 = arith.constant true
      %reduce_sum3A_710 = vector.broadcast %reduce_sum3A_709 : i1 to vector<16xi1>
      %reduce_sum3A_711 = tpu.scan <sum>, %add3A_708 masked %reduce_sum3A_710 : vector<16xf32>, vector<16xi1> -> vector<16xf32>
      %reduce_sum3A_712 = vector.extract %reduce_sum3A_711[15] : f32 from vector<16xf32>
      %jit3A_713 = arith.constant 2 : i32
      %eq3A_714 = arith.constant 0 : i32
      %eq3A_715 = arith.cmpi eq, %jit3A_713, %eq3A_714 : i32
      %jit3A_716 = arith.constant 1 : i32
      %select_n3A_717 = arith.select %eq3A_715, %jit3A_716, %jit3A_713 : i32
      %rem3A_718 = arith.remsi %scan3A_170, %select_n3A_717 : i32
      %ne3A_719 = arith.constant 0 : i32
      %ne3A_720 = arith.cmpi ne, %rem3A_718, %ne3A_719 : i32
      %lt3A_721 = arith.constant 0 : i32
      %lt3A_722 = arith.cmpi slt, %rem3A_718, %lt3A_721 : i32
      %lt3A_723 = arith.constant 0 : i32
      %lt3A_724 = arith.cmpi slt, %select_n3A_717, %lt3A_723 : i32
      %ne3A_725 = arith.xori %lt3A_722, %lt3A_724 : i1
      %and3A_726 = arith.andi %ne3A_725, %ne3A_720 : i1
      %add3A_727 = arith.addi %rem3A_718, %select_n3A_717 : i32
      %select_n3A_728 = arith.select %and3A_726, %add3A_727, %rem3A_718 : i32
      %mul3A_729 = arith.constant 8 : i32
      %mul3A_730 = arith.muli %select_n3A_728, %mul3A_729 : i32
      %add3A_731 = arith.constant 7 : i32
      %add3A_732 = arith.addi %mul3A_730, %add3A_731 : i32
      %eq3A_733 = vector.broadcast %add3A_732 : i32 to vector<16xi32>
      %eq3A_734 = arith.cmpi eq, %iota3A, %eq3A_733 : vector<16xi32>
      %broadcast_in_dim3A_735 = vector.broadcast %reduce_sum3A_712 : f32 to vector<16xf32>
      %select_n3A_736 = arith.select %eq3A_734, %broadcast_in_dim3A_735, %select_n3A_664 : vector<16xi1>, vector<16xf32>
      %jit3A_737 = arith.constant 2 : i32
      %eq3A_738 = arith.constant 0 : i32
      %eq3A_739 = arith.cmpi eq, %jit3A_737, %eq3A_738 : i32
      %jit3A_740 = arith.constant 1 : i32
      %select_n3A_741 = arith.select %eq3A_739, %jit3A_740, %jit3A_737 : i32
      %rem3A_742 = arith.remsi %scan3A_170, %select_n3A_741 : i32
      %ne3A_743 = arith.constant 0 : i32
      %ne3A_744 = arith.cmpi ne, %rem3A_742, %ne3A_743 : i32
      %lt3A_745 = arith.constant 0 : i32
      %lt3A_746 = arith.cmpi slt, %rem3A_742, %lt3A_745 : i32
      %lt3A_747 = arith.constant 0 : i32
      %lt3A_748 = arith.cmpi slt, %select_n3A_741, %lt3A_747 : i32
      %ne3A_749 = arith.xori %lt3A_746, %lt3A_748 : i1
      %and3A_750 = arith.andi %ne3A_749, %ne3A_744 : i1
      %add3A_751 = arith.addi %rem3A_742, %select_n3A_741 : i32
      %select_n3A_752 = arith.select %and3A_750, %add3A_751, %rem3A_742 : i32
      %eq3A_753 = arith.constant 1 : i32
      %eq3A_754 = arith.cmpi eq, %select_n3A_752, %eq3A_753 : i32
      %convert_element_type3A_755 = arith.extui %eq3A_754 : i1 to i32
      %cond3A_756 = arith.constant 0 : i32
      %cond3A_757 = arith.cmpi ne, %convert_element_type3A_755, %cond3A_756 : i32
      scf.if %cond3A_757 {
        %jit3A_779 = arith.constant 2 : i32
        %div3A = arith.divsi %scan3A_170, %jit3A_779 : i32
        %sign3A = arith.constant 0 : i32
        %sign3A_780 = arith.cmpi sgt, %scan3A_170, %sign3A : i32
        %sign3A_781 = arith.extui %sign3A_780 : i1 to i32
        %sign3A_782 = arith.constant 0 : i32
        %sign3A_783 = arith.cmpi slt, %scan3A_170, %sign3A_782 : i32
        %sign3A_784 = arith.extui %sign3A_783 : i1 to i32
        %sign3A_785 = arith.subi %sign3A_781, %sign3A_784 : i32
        %sign3A_786 = arith.constant 0 : i32
        %sign3A_787 = arith.cmpi sgt, %jit3A_779, %sign3A_786 : i32
        %sign3A_788 = arith.extui %sign3A_787 : i1 to i32
        %sign3A_789 = arith.constant 0 : i32
        %sign3A_790 = arith.cmpi slt, %jit3A_779, %sign3A_789 : i32
        %sign3A_791 = arith.extui %sign3A_790 : i1 to i32
        %sign3A_792 = arith.subi %sign3A_788, %sign3A_791 : i32
        %ne3A_793 = arith.cmpi ne, %sign3A_785, %sign3A_792 : i32
        %rem3A_794 = arith.remsi %scan3A_170, %jit3A_779 : i32
        %ne3A_795 = arith.constant 0 : i32
        %ne3A_796 = arith.cmpi ne, %rem3A_794, %ne3A_795 : i32
        %and3A_797 = arith.andi %ne3A_793, %ne3A_796 : i1
        %sub3A = arith.constant 1 : i32
        %sub3A_798 = arith.subi %div3A, %sub3A : i32
        %select_n3A_799 = arith.select %and3A_797, %sub3A_798, %div3A : i32
        %mul3A_800 = arith.constant 16 : i32
        %mul3A_801 = arith.muli %select_n3A_799, %mul3A_800 : i32
        %multiple_of3A = tpu.assume_multiple %mul3A_801, 16 : i32
        %swap3A = arith.index_cast %multiple_of3A : i32 to index
        %swap3A_802 = tpu.vector_load %arg16[%swap3A] {strides = array<i32>} : memref<128xf32, #tpu.memory_space<vmem>>, vector<16xf32>,
        tpu.vector_store %arg16[%swap3A], %select_n3A_736 {strides = array<i32>} : memref<128xf32, #tpu.memory_space<vmem>>, vector<16xf32>,
      } else {
      }
      %jit3A_758 = arith.constant 2 : i32
      %eq3A_759 = arith.constant 0 : i32
      %eq3A_760 = arith.cmpi eq, %jit3A_758, %eq3A_759 : i32
      %jit3A_761 = arith.constant 1 : i32
      %select_n3A_762 = arith.select %eq3A_760, %jit3A_761, %jit3A_758 : i32
      %rem3A_763 = arith.remsi %scan3A_170, %select_n3A_762 : i32
      %ne3A_764 = arith.constant 0 : i32
      %ne3A_765 = arith.cmpi ne, %rem3A_763, %ne3A_764 : i32
      %lt3A_766 = arith.constant 0 : i32
      %lt3A_767 = arith.cmpi slt, %rem3A_763, %lt3A_766 : i32
      %lt3A_768 = arith.constant 0 : i32
      %lt3A_769 = arith.cmpi slt, %select_n3A_762, %lt3A_768 : i32
      %ne3A_770 = arith.xori %lt3A_767, %lt3A_769 : i1
      %and3A_771 = arith.andi %ne3A_770, %ne3A_765 : i1
      %add3A_772 = arith.addi %rem3A_763, %select_n3A_762 : i32
      %select_n3A_773 = arith.select %and3A_771, %add3A_772, %rem3A_763 : i32
      %eq3A_774 = arith.constant 1 : i32
      %eq3A_775 = arith.cmpi eq, %select_n3A_773, %eq3A_774 : i32
      %broadcast_in_dim3A_776 = arith.constant 0.000000e+00 : f32
      %broadcast_in_dim3A_777 = vector.broadcast %broadcast_in_dim3A_776 : f32 to vector<16xf32>
      %select_n3A_778 = arith.select %eq3A_775, %broadcast_in_dim3A_777, %select_n3A_736 : vector<16xf32>
      scf.yield %select_n3A_778 : vector<16xf32>
    }
    %scan3A_167 = arith.constant 16 : i32
    %mul3A_168 = arith.constant 128 : i32
    %mul3A_169 = arith.muli %add3A, %mul3A_168 : i32
    "tpu.region"() ({
      %run_scoped3A = tpu.sem_alloc : memref<!tpu.dma_semaphore, #tpu.memory_space<semaphore_mem>>
      %dma_start3A_170 = tpu.memref_slice %arg5[%mul3A_169] : memref<4096xf32, #tpu.memory_space<hbm>> -> memref<128xf32, #tpu.memory_space<hbm>>
      %dma_start3A_171 = tpu.memref_slice %arg5[%mul3A_169] : memref<4096xf32, #tpu.memory_space<hbm>> -> memref<128xf32, #tpu.memory_space<hbm>>
      tpu.enqueue_dma source(%arg16 : memref<128xf32, #tpu.memory_space<vmem>>) target(%dma_start3A_171 : memref<128xf32, #tpu.memory_space<hbm>>) target_semaphore(%run_scoped3A : memref<!tpu.dma_semaphore, #tpu.memory_space<semaphore_mem>>)
      %dma_wait3A = tpu.memref_slice %arg5[%mul3A_169] : memref<4096xf32, #tpu.memory_space<hbm>> -> memref<128xf32, #tpu.memory_space<hbm>>
      %dma_wait3A_172 = tpu.memref_slice %arg5[%mul3A_169] : memref<4096xf32, #tpu.memory_space<hbm>> -> memref<128xf32, #tpu.memory_space<hbm>>
      tpu.wait_dma2 semaphore(%run_scoped3A : memref<!tpu.dma_semaphore, #tpu.memory_space<semaphore_mem>>) src(%arg16 : memref<128xf32, #tpu.memory_space<vmem>>) dst(%dma_wait3A_172 : memref<128xf32, #tpu.memory_space<hbm>>)
      tpu.yield
    }) : () -> ()
    return
  }
}

module attributes {stable_mosaic.version = 14 : i64} {
  func.func @body(%arg0: i32, %arg1: memref<32x16384xf32, #tpu.memory_space<vmem>>, %arg2: memref<4096x128xf32, #tpu.memory_space<vmem>>, %arg3: memref<16384x32xf32, #tpu.memory_space<vmem>>) attributes {dimension_semantics = [#tpu.dimension_semantics<arbitrary>], iteration_bounds = array<i64: 62>, scalar_prefetch = 0 : i64, scratch_operands = 1 : i64, tpu.core_type = #tpu.core_type<tc>, window_params = [{transform_indices = @transform_0, window_bounds = array<i64: 32, 16384>}, {transform_indices = @transform_1, window_bounds = array<i64: 4096, 128>}]} {
    %get3A = arith.constant 0 : index
    %get3A_0 = arith.constant 0 : index
    %get3A_1 = vector.load %arg1[%get3A, %get3A_0] : memref<32x16384xf32, #tpu.memory_space<vmem>>, vector<32x16384xf32>
    %transpose3A = tpu.transpose %get3A_1, [1, 0] : vector<32x16384xf32> -> vector<16384x32xf32>
    %swap3A = arith.constant 0 : index
    %swap3A_2 = arith.constant 0 : index
    %swap3A_3 = vector.load %arg3[%swap3A, %swap3A_2] : memref<16384x32xf32, #tpu.memory_space<vmem>>, vector<16384x32xf32>
    tpu.vector_store %arg3[%swap3A, %swap3A_2], %transpose3A {strides = array<i32>} : memref<16384x32xf32, #tpu.memory_space<vmem>>, vector<16384x32xf32>,
    %get3A_4 = arith.constant 0 : index
    %get3A_5 = arith.constant 0 : index
    %get3A_6 = tpu.strided_load %arg3[%get3A_4, %get3A_5] {strides = array<i32: 4, 1>} : memref<16384x32xf32, #tpu.memory_space<vmem>>, vector<4096x32xf32>
    %get3A_7 = arith.constant 1 : index
    %get3A_8 = arith.constant 0 : index
    %get3A_9 = tpu.strided_load %arg3[%get3A_7, %get3A_8] {strides = array<i32: 4, 1>} : memref<16384x32xf32, #tpu.memory_space<vmem>>, vector<4096x32xf32>
    %get3A_10 = arith.constant 2 : index
    %get3A_11 = arith.constant 0 : index
    %get3A_12 = tpu.strided_load %arg3[%get3A_10, %get3A_11] {strides = array<i32: 4, 1>} : memref<16384x32xf32, #tpu.memory_space<vmem>>, vector<4096x32xf32>
    %get3A_13 = arith.constant 3 : index
    %get3A_14 = arith.constant 0 : index
    %get3A_15 = tpu.strided_load %arg3[%get3A_13, %get3A_14] {strides = array<i32: 4, 1>} : memref<16384x32xf32, #tpu.memory_space<vmem>>, vector<4096x32xf32>
    %concatenate3A = tpu.concatenate %get3A_6, %get3A_9, %get3A_12, %get3A_15 in 1 : vector<4096x32xf32>, vector<4096x32xf32>, vector<4096x32xf32>, vector<4096x32xf32> -> vector<4096x128xf32>
    %swap3A_16 = arith.constant 0 : index
    %swap3A_17 = arith.constant 0 : index
    %swap3A_18 = vector.load %arg2[%swap3A_16, %swap3A_17] : memref<4096x128xf32, #tpu.memory_space<vmem>>, vector<4096x128xf32>
    tpu.vector_store %arg2[%swap3A_16, %swap3A_17], %concatenate3A {strides = array<i32>} : memref<4096x128xf32, #tpu.memory_space<vmem>>, vector<4096x128xf32>,
    return
  }
  func.func @transform_0(%arg0: i32) -> (i32, i32) {
    %c0_i32 = arith.constant 0 : i32
    %c0_i32_0 = arith.constant 0 : i32
    return %c0_i32, %arg0 : i32, i32
  }
  func.func @transform_1(%arg0: i32) -> (i32, i32) {
    %c0_i32 = arith.constant 0 : i32
    %c0_i32_0 = arith.constant 0 : i32
    return %arg0, %c0_i32 : i32, i32
  }
}

</mosaic_0001>

<sc_bundles>
// kernel: kernel.4.cloned.1.call-start
scs
__scs_entry_jumppad:
0x0: {  	(pc) =	sbr.rel $0x88, $3  }
0x1: {  	(tag) =	ssettag $0x0;
	lr =	simm.s32 $0x1  }
0x2: {  	[smem:$0x3F9D] =	sst lr;
	_ =	strace $0xD0000000  }
0x3: {  	_ = 	snop  }
0x4: {  	_ = 	snop  }
0x5: {  	_ = 	snop  }
0x6: {  	_ = 	snop  }
0x7: {  	_ = 	snop  }
__scs_overlays_trampoline_lowered:
0x8: {  	[smem:$0x3FAC] =	sst s0  }
0x9: {  	[smem:$0x3FAD] =	sst s1  }
0xa: {  	[smem:$0x3FAE] =	sst s2  }
0xb: {  	[smem:$0x3FAF] =	sst s3  }
0xc: {  	[smem:$0x3FB0] =	sst s4  }
0xd: {  	[smem:$0x3FB1] =	sst s5  }
0xe: {  	[smem:$0x3FB2] =	sst s6  }
0xf: {  	[smem:$0x3FB3] =	sst s7  }
0x10: {  	[smem:$0x3FB4] =	sst s8  }
0x11: {  	[smem:$0x3FB5] =	sst s9;
	s0 =	simm.s32 @!p0 $0x0  }
0x12: {  	s1 =	sld [smem:$0x3F9B];
	s0 =	simm.s32 @p0 $0x1  }
0x13: {  	[smem:$0x3FB6] =	sst s0;
	s0 =	simm.s32 @!p1 $0x0  }
0x14: {  	s2 =	sld [smem:$0x3F9A];
	s0 =	simm.s32 @p1 $0x1  }
0x15: {  	[smem:$0x3FB7] =	sst s0;
	s0 =	simm.s32 @!p2 $0x0  }
0x16: {  	s3 =	sld [smem:$0x3FDB];
	s0 =	simm.s32 @p2 $0x1  }
0x17: {  	s4 =	simm.s32 $0x1BF5;
	[smem:$0x3FB9] =	sst s0  }
0x18: {  	s0 =	sld [smem:$0x3F9C];
	_ =	swait.ge [sflag:s4], $0x0  }
0x19: {  	s7 =	sld [smem:$0x3F9D]  }
0x1a: {  	s8 =	sadd.s32 $0xFFFFE003, lr  }
0x1b: {  	s9 =	sadd.s32 $0xFFFFFEF7, lr;
	s5 =	simm.s32 $0xFFFFFFFF;
	p2 =	slt.u32 s8, $0xFFFFF086  }
0x1c: {  	p1 =	slt.u32 s9, $0xF7A;
	s5 =	simm.s32 @!p2 $0x0  }
0x1d: {  	s5 =	simm.s32 @p1 $0x1;
	p0 =	seq.s32 s7, s2  }
0x1e: {  	s7 =	smul.u32 @!p0 $0xF7A, s2;
	p2 =	seq.s32 @!p0 s5, $0x0  }
0x1f: {  	s9 =	smul.u32 $0xF7A, s1;
	s8 =	simm.s32 @!p0 $0x1BF5;
	p2 =	por !p2, p0  }
0x20: {  	[sflag:s8] =	ssyncset.s32 @!p0 $0xFFFFF086;
	s6 =	sadd.s32 @!p0 s3, s7;
	s7 =	simm.s32 @!p0 $0x108  }
0x21: {  	s3 =	sadd.s32 s3, s9;
	s6 =	sadd.s32 @!p0 $0x88, s6;
	s7 =	simm.s32 @p2 $0x1082  }
0x22: {  	[simem:s7], [sflag:s8] =	dma.local @!p0 [hbm:s6], $0xF7A  }
0x23: {  	s9 =	sor.u32 $0xD0000000, s2;
	s6 =	simm.s32 $0x108;
	_ =	swait.ge @!p0 [sflag:s8], $0x0  }
0x24: {  	s3 =	sadd.s32 $0x88, s3;
	s6 =	simm.s32 @!p1 $0x1082;
	[sflag:s4] =	ssyncset.s32 $0xFFFFF086  }
0x25: {  	[simem:s6], [sflag:s4] =	dma.local [hbm:s3], $0xF7A  }
0x26: {  	[smem:$0x3F9D] =	sst s1;
	(tag) =	ssettag s2;
	_ =	strace s9  }
0x27: {  	s1 =	sld [smem:$0x3FAD]  }
0x28: {  	s2 =	sld [smem:$0x3FAE]  }
0x29: {  	s4 =	sld [smem:$0x3FB0]  }
0x2a: {  	p0 =	seq.s32 s5, $0x0;
	s5 =	sld [smem:$0x3FB1]  }
0x2b: {  	s6 =	sld [smem:$0x3FB2]  }
0x2c: {  	s7 =	sld [smem:$0x3FB3]  }
0x2d: {  	s3 =	simm.s32 $0x108;
	s8 =	sld [smem:$0x3FB4]  }
0x2e: {  	s3 =	simm.s32 @!p0 $0x1082;
	s9 =	sld [smem:$0x3FB5]  }
0x2f: {  	lr =	sadd.s32 s0, s3;
	s0 =	sld [smem:$0x3FAC]  }
0x30: {  	s3 =	sld [smem:$0x3FAF]  }
0x31: {  	[smem:$0x3FB8] =	sst s10  }
0x32: {  	s10 =	sld [smem:$0x3FB6];
	_ =	sdelay $0x3  }
0x33: {  	p0 =	seq.s32 s10, $0x1;
	s10 =	sld [smem:$0x3FB8];
	_ =	sdelay $0x3  }
0x34: {  	[smem:$0x3FB8] =	sst s10  }
0x35: {  	s10 =	sld [smem:$0x3FB7];
	_ =	sdelay $0x3  }
0x36: {  	p1 =	seq.s32 s10, $0x1;
	s10 =	sld [smem:$0x3FB8];
	_ =	sdelay $0x3  }
0x37: {  	[smem:$0x3FB8] =	sst s10  }
0x38: {  	s10 =	sld [smem:$0x3FB9]  }
0x39: {  	_ = 	snop;
	(pc) =	sbr.ind lr, $3  }
0x3a: {  	_ = 	snop  }
0x3b: {  	_ = 	snop  }
0x3c: {  	p2 =	seq.s32 s10, $0x1;
	s10 =	sld [smem:$0x3FB8]  }
0x3d: {  	_ =	shalt  }
0x3e: {  	_ =	shalt  }
0x3f: {  	_ =	shalt  }
0x40: {  	_ =	shalt  }
0x41: {  	_ =	shalt  }
0x42: {  	_ =	shalt  }
0x43: {  	_ =	shalt  }
0x44: {  	_ =	shalt  }
0x45: {  	_ =	shalt  }
0x46: {  	_ =	shalt  }
0x47: {  	_ =	shalt  }
0x48: {  	_ =	shalt  }
0x49: {  	_ =	shalt  }
0x4a: {  	_ =	shalt  }
0x4b: {  	_ =	shalt  }
0x4c: {  	_ =	shalt  }
0x4d: {  	_ =	shalt  }
0x4e: {  	_ =	shalt  }
0x4f: {  	_ =	shalt  }
0x50: {  	_ =	shalt  }
0x51: {  	_ =	shalt  }
0x52: {  	_ =	shalt  }
0x53: {  	_ =	shalt  }
0x54: {  	_ =	shalt  }
0x55: {  	_ =	shalt  }
0x56: {  	_ =	shalt  }
0x57: {  	_ =	shalt  }
0x58: {  	_ =	shalt  }
0x59: {  	_ =	shalt  }
0x5a: {  	_ =	shalt  }
0x5b: {  	_ =	shalt  }
0x5c: {  	_ =	shalt  }
0x5d: {  	_ =	shalt  }
0x5e: {  	_ =	shalt  }
0x5f: {  	_ =	shalt  }
0x60: {  	_ =	shalt  }
0x61: {  	_ =	shalt  }
0x62: {  	_ =	shalt  }
0x63: {  	_ =	shalt  }
0x64: {  	_ =	shalt  }
0x65: {  	_ =	shalt  }
0x66: {  	_ =	shalt  }
0x67: {  	_ =	shalt  }
0x68: {  	_ =	shalt  }
0x69: {  	_ =	shalt  }
0x6a: {  	_ =	shalt  }
0x6b: {  	_ =	shalt  }
0x6c: {  	_ =	shalt  }
0x6d: {  	_ =	shalt  }
0x6e: {  	_ =	shalt  }
0x6f: {  	_ =	shalt  }
0x70: {  	_ =	shalt  }
0x71: {  	_ =	shalt  }
0x72: {  	_ =	shalt  }
0x73: {  	_ =	shalt  }
0x74: {  	_ =	shalt  }
0x75: {  	_ =	shalt  }
0x76: {  	_ =	shalt  }
0x77: {  	_ =	shalt  }
0x78: {  	_ =	shalt  }
0x79: {  	_ =	shalt  }
0x7a: {  	_ =	shalt  }
0x7b: {  	_ =	shalt  }
0x7c: {  	_ =	shalt  }
0x7d: {  	_ =	shalt  }
0x7e: {  	_ =	shalt  }
0x7f: {  	_ =	shalt  }
0x80: {  	_ =	shalt  }
0x81: {  	_ =	shalt  }
0x82: {  	_ =	shalt  }
0x83: {  	_ =	shalt  }
0x84: {  	_ =	shalt  }
0x85: {  	_ =	shalt  }
0x86: {  	_ =	shalt  }
0x87: {  	_ =	shalt  }
.Lfunc_end0:
.L_simem_size_0:
called_computation_lowered:
.L_overlay_start_0:
0x88: {  	s2 =	sld [smem:$0x3FD9]  }
0x89: {  	s3 =	sld [smem:$0x3FFE];
	_ =	sdelay $0x1  }
0x8a: {  	s1 =	srdreg.scid  }
0x8b: {  	s0 =	sand.u32 $0x1, s1  }
0x8c: {  	s17 =	sshll.u32 s0, $0xA;
	s2 =	sadd.s32 s3, s2  }
0x8d: {  	s2 =	sadd.s32 s2, s17  }
0x8e: {  	[smem:$0x3FC4] =	sst s2  }
0x8f: {  	_ = 	snop  }
0x90: {  	s2 =	sld [smem:$0x3FD0];
	(tm) =	ssettm $0x1  }
0x91: {  	s18 =	sld [smem:$0x3FFB];
	_ =	sdelay $0x3  }
0x92: {  	_ =	strace s18  }
0x93: {  	s3 =	sld [smem:$0x3FFC];
	_ =	sdelay $0x3  }
0x94: {  	_ =	strace s3  }
0x95: {  	s3 =	sld [smem:$0x3FFD];
	_ =	sdelay $0x3  }
0x96: {  	_ =	strace s3  }
0x97: {  	_ =	strace $0x8FFFFFFF  }
0x98: {  	s19 =	sld [smem:$0x3FDB];
	_ =	sdelay $0x1  }
0x99: {  	s4 =	simm.s32 $_scs_section_size  }
0x9a: {  	s5 =	simm.s32 $_size__tile_overlayer_lowered;
	s6 =	simm.s32 $_tile_overlayer_lowered  }
0x9b: {  	s22 =	simm.s32 $0x1BFF;
	s21 =	sshll.u32 s6, $0x1;
	s3 =	sadd.s32 s4, s19  }
0x9c: {  	s7 =	simm.s32 $0x0;
	s20 =	sshll.u32 s5, $0x1;
	s5 =	sadd.s32 s21, s3  }
0x9d: {  	[timem:s7], [sflag:s22] =	dma.local [hbm:s5], s20  }
0x9e: {  	_ =	swait.ge [sflag:s22], s20  }
0x9f: {  	s4 =	ssub.s32 $0x0, s20;
	[sflag:s22] =	ssyncset.done $0x0  }
0xa0: {  	[sflag:s22] =	ssyncadd.s32 s4;
	_ =	sdelay $0x1  }
0xa1: {  	s23 =	simm.s32 $0x1B8B  }
0xa2: {  	_ =	swait.ge [sflag:s23], $0x1  }
0xa3: {  	[sflag:s23] =	ssyncset.done $0x0  }
0xa4: {  	s25 =	simm.s32 $0x1B8E;
	s24 =	sld [smem:$0x3FFE];
	[sflag:s23] =	ssyncadd.s32 $0xFFFFFFFF  }
0xa5: {  	s26 =	simm.s32 $execute0_lowered;
	[smem:$0x3FD2] =	sst s25  }
0xa6: {  	s5 =	sshll.u32 s26, $0x1;
	_ =	strace $0x80000046;
	[dreg:$0x1] =	wrdreg $0xFFFFFFFF  }
0xa7: {  	s28 =	simm.s32 $_size_execute0_lowered;
	s3 =	sadd.s32 s3, s5;
	[dreg:$0x0] =	wrdreg $0x0  }
0xa8: {  	s5 =	sshll.u32 s28, $0x1;
	[dreg:$0x2] =	wrdreg s3  }
0xa9: {  	[dreg:$0x3] =	wrdreg s5  }
0xaa: {  	[dreg:$0x4] =	wrdreg $0xC0  }
0xab: {  	_ =	task [dreg:s7], $0x5FFFF  }
0xac: {  	[dreg:$0x1] =	wrdreg $0xFFFFFFFF  }
0xad: {  	[dreg:$0x0] =	wrdreg $0x60  }
0xae: {  	[dreg:$0x2] =	wrdreg s24  }
0xaf: {  	[dreg:$0x3] =	wrdreg s2  }
0xb0: {  	[dreg:$0x4] =	wrdreg $0x9  }
0xb1: {  	_ =	task.clear_ibuf [dreg:s7], $0x5FFFF;
	_ =	strace $0x90000046  }
0xb2: {  	s29 =	simm.s32 $0x9;
	_ =	strace $0x80000048  }
0xb3: {  	_ =	swait.ge [sflag:s29], $0x1  }
0xb4: {  	[sflag:s29] =	ssyncadd.s32 $0xFFFFFFFF  }
0xb5: {  	_ =	strace $0x90000048  }
0xb6: {  	_ =	sfence  }
0xb7: {  	s30 =	sld [smem:$0x0];
	_ =	sdelay $0x2  }
0xb8: {  	s31 =	sshll.u32 s1, $0xD;
	s1 =	sshrl.u32 s1, $0x2  }
0xb9: {  	s3 =	sand.u32 $0x4000, s31;
	s1 =	sadd.s32 s1, s30  }
0xba: {  	s0 =	sor.u32 s3, s0;
	s1 =	sshll.u32 s1, $0x11  }
0xbb: {  	s0 =	sor.u32 s1, s0  }
0xbc: {  	s0 =	sadd.s32 $0x8F2B, s0  }
0xbd: {  	[sflag:s0] =	ssyncadd.remote.s32 $0x1  }
0xbe: {  	_ =	sfence.sel $0xFFFF  }
0xbf: {  	[dreg:$0x0] =	wrdreg $0xFFFFFFFF;
	(pc) =	sbr.abs _section_cstart, $3  }
0xc0: {  	[dreg:$0x1] =	wrdreg $0xFFFFFFFF  }
0xc1: {  	_ =	task.clear_ibuf [dreg:s7], $0x2FFFF;
	_ =	strace $0x9FFFFFFF  }
0xc2: {  	(tm) =	ssettm $0x7FFFFFFF  }
0xc3: {  	_ =	shalt  }
tec
execute0_lowered:
.L_overlay_start_1:
0x0: {  	(tag) =	ssettag $0x1  }
0x1: {  	s1 =	rddreg [dreg:$0x0]  }
0x2: {  	s0 =	srdreg.scid;
	s6 =	rddreg [dreg:$0x1]  }
0x3: {  	s4 =	stileid.u32;
	s2 =	simm.s32 $0x0;
	s10 =	simm.s32 $0x64  }
0x4: {  	s13 =	simm.s32 $0x548;
	s14 =	simm.s32 $0x10A80;
	s15 =	simm.s32 $0x5B0  }
0x5: {  	s16 =	simm.s32 $0x11700;
	s17 =	simm.s32 $0x618;
	s18 =	simm.s32 $0x12380  }
0x6: {  	s19 =	simm.s32 $0x1;
	s20 =	simm.s32 $0x2;
	s21 =	simm.s32 $0x3  }
0x7: {  	s22 =	simm.s32 $0x4;
	s23 =	simm.s32 $0x5;
	s24 =	simm.s32 $0x6  }
0x8: {  	s25 =	simm.s32 $0x7;
	s26 =	simm.s32 $0x8;
	s0 =	sand.u32 $0x1, s0  }
0x9: {  	s28 =	simm.s32 $0x14900;
	s29 =	simm.s32 $0x0;
	s3 =	sshll.u32 s0, $0x4  }
0xa: {  	[smem:$0x7FF] =	sst s2;
	s0 =	ssub.s32 $0x2, s0;
	s5 =	sor.u32 s4, s3  }
0xb: {  	_ =	strace $0x80000047;
	s31 =	sshrl.u32 s0, $0x1;
	s3 =	smul.u32 $0xD00, s5  }
0xc: {  	s4 =	sadd.s32 $0x3EAC00, s1;
	s8 =	sshll.u32 s5, $0x4;
	s0 =	ssub.s32 s0, s31  }
0xd: {  	s6 =	sadd.s32 s6, s8;
	s8 =	simm.s32 $0x9;
	s7 =	sadd.s32 s3, s1  }
0xe: {  	v0 =	vlaneseq.u32;
	s3 =	sadd.s32 $0x1A200, s1;
	s5 =	sadd.s32 $0x200, s7;
	s7 =	smax.u32 s0, $0x1  }
.LBB2_1:
0xf: {  	[tilespmem:s2], [sflag:$0x9] =	stream.linear.gather [hbm4b:s5+s2], $0x6800, $0x38;
	[tilespmem:$0x14980] =	vst v63  }
0x10: {  	_ =	swait.ge [sflag:s8], $0x6800  }
0x11: {  	[sflag:s8] =	ssyncset.done $0x0  }
0x12: {  	s0 =	simm.s32 $0x13000;
	[sflag:s8] =	ssyncadd.s32 $0xFFFF9800  }
0x13: {  	[tilespmem:s0], [sflag:$0x9] =	stream.linear.gather [hbm4b:s4+s2], $0x1900, $0x38;
	[tilespmem:$0x14980] =	vst v63  }
0x14: {  	_ =	swait.ge [sflag:s8], $0x1900  }
0x15: {  	[sflag:s8] =	ssyncset.done $0x0  }
0x16: {  	s9 =	simm.s32 $0x6800;
	[sflag:s8] =	ssyncadd.s32 $0xFFFFE700  }
0x17: {  	[tilespmem:s9], [sflag:$0x1] =	stream.indirect.gather [hbm4b:s3+s10], $0x20, s2, s10, $0xb8;
	[tilespmem:$0x14980] =	vst v63  }
0x18: {  	s11 =	simm.s32 $0x68;
	s1 =	simm.s32 $0x7480  }
0x19: {  	[tilespmem:s1], [sflag:$0x1] =	stream.indirect.gather [hbm4b:s3+s10], $0x20, s11, s10, $0xb8;
	[tilespmem:$0x14980] =	vst v63  }
0x1a: {  	s12 =	simm.s32 $0xD0;
	s31 =	simm.s32 $0x8100  }
0x1b: {  	[tilespmem:s31], [sflag:$0x2] =	stream.indirect.gather [hbm4b:s3+s10], $0x20, s12, s10, $0xb8;
	[tilespmem:$0x14980] =	vst v63  }
0x1c: {  	s9 =	simm.s32 $0x138;
	s11 =	simm.s32 $0x8D80  }
0x1d: {  	[tilespmem:s11], [sflag:$0x2] =	stream.indirect.gather [hbm4b:s3+s10], $0x20, s9, s10, $0xb8;
	[tilespmem:$0x14980] =	vst v63  }
0x1e: {  	s12 =	simm.s32 $0x1A0;
	s31 =	simm.s32 $0x9A00  }
0x1f: {  	[tilespmem:s31], [sflag:$0x3] =	stream.indirect.gather [hbm4b:s3+s10], $0x20, s12, s10, $0xb8;
	[tilespmem:$0x14980] =	vst v63  }
0x20: {  	s9 =	simm.s32 $0x208;
	s11 =	simm.s32 $0xA680  }
0x21: {  	[tilespmem:s11], [sflag:$0x3] =	stream.indirect.gather [hbm4b:s3+s10], $0x20, s9, s10, $0xb8;
	[tilespmem:$0x14980] =	vst v63  }
0x22: {  	s12 =	simm.s32 $0x270;
	s31 =	simm.s32 $0xB300  }
0x23: {  	[tilespmem:s31], [sflag:$0x4] =	stream.indirect.gather [hbm4b:s3+s10], $0x20, s12, s10, $0xb8;
	[tilespmem:$0x14980] =	vst v63  }
0x24: {  	s9 =	simm.s32 $0x2D8;
	s11 =	simm.s32 $0xBF80  }
0x25: {  	[tilespmem:s11], [sflag:$0x4] =	stream.indirect.gather [hbm4b:s3+s10], $0x20, s9, s10, $0xb8;
	[tilespmem:$0x14980] =	vst v63  }
0x26: {  	s12 =	simm.s32 $0x340;
	s31 =	simm.s32 $0xCC00  }
0x27: {  	[tilespmem:s31], [sflag:$0x5] =	stream.indirect.gather [hbm4b:s3+s10], $0x20, s12, s10, $0xb8;
	[tilespmem:$0x14980] =	vst v63  }
0x28: {  	s9 =	simm.s32 $0x3A8;
	s11 =	simm.s32 $0xD880  }
0x29: {  	[tilespmem:s11], [sflag:$0x5] =	stream.indirect.gather [hbm4b:s3+s10], $0x20, s9, s10, $0xb8;
	[tilespmem:$0x14980] =	vst v63  }
0x2a: {  	s12 =	simm.s32 $0x410;
	s31 =	simm.s32 $0xE500  }
0x2b: {  	[tilespmem:s31], [sflag:$0x6] =	stream.indirect.gather [hbm4b:s3+s10], $0x20, s12, s10, $0xb8;
	[tilespmem:$0x14980] =	vst v63  }
0x2c: {  	s9 =	simm.s32 $0x478;
	s11 =	simm.s32 $0xF180  }
0x2d: {  	[tilespmem:s11], [sflag:$0x6] =	stream.indirect.gather [hbm4b:s3+s10], $0x20, s9, s10, $0xb8;
	[tilespmem:$0x14980] =	vst v63  }
0x2e: {  	s12 =	simm.s32 $0x4E0;
	s31 =	simm.s32 $0xFE00  }
0x2f: {  	[tilespmem:s31], [sflag:$0x7] =	stream.indirect.gather [hbm4b:s3+s10], $0x20, s12, s10, $0xb8;
	[tilespmem:$0x14980] =	vst v63  }
0x30: {  	_ = 	snop  }
0x31: {  	[tilespmem:s14], [sflag:$0x7] =	stream.indirect.gather [hbm4b:s3+s10], $0x20, s13, s10, $0xb8;
	[tilespmem:$0x14980] =	vst v63  }
0x32: {  	_ = 	snop  }
0x33: {  	[tilespmem:s16], [sflag:$0x8] =	stream.indirect.gather [hbm4b:s3+s10], $0x20, s15, s10, $0xb8;
	[tilespmem:$0x14980] =	vst v63  }
0x34: {  	s30 =	simm.s32 $0x0  }
0x35: {  	v1 =	vimm.f32 $0.0e+00;
	[tilespmem:s18], [sflag:$0x8] =	stream.indirect.gather [hbm4b:s3+s10], $0x20, s17, s10, $0xb8;
	[tilespmem:$0x14980] =	vst v63  }
.LBB2_2:
0x36: {  	_ =	swait.ge [sflag:s19], $0xC80  }
0x37: {  	p0 =	seq.s32 s30, $0xF;
	[sflag:s19] =	ssyncset.done $0x0  }
0x38: {  	s0 =	smul.u32 @!p0 $0x1A00, s30;
	[sflag:s19] =	ssyncadd.s32 $0xFFFFF380  }
0x39: {  	_ =	swait.ge [sflag:s19], $0xC80  }
0x3a: {  	s1 =	simm.s32 @!p0 $0x64;
	s31 =	sshra.s32 @!p0 s0, $0x2;
	[sflag:s19] =	ssyncset.done $0x0  }
0x3b: {  	s9 =	simm.s32 @!p0 $0x6800;
	s0 =	sadd.s32 @!p0 $0x680, s31;
	[sflag:s19] =	ssyncadd.s32 $0xFFFFF380  }
0x3c: {  	[tilespmem:s9], [sflag:$0x1] =	stream.indirect.gather @!p0 [hbm4b:s3+s1], $0x20, s0, s1, $0xb8;
	[tilespmem:$0x14980] =	vst v63  }
0x3d: {  	s0 =	sadd.s32 @!p0 $0x6E8, s31;
	s9 =	simm.s32 @!p0 $0x7480  }
0x3e: {  	[tilespmem:s9], [sflag:$0x1] =	stream.indirect.gather @!p0 [hbm4b:s3+s1], $0x20, s0, s1, $0xb8;
	[tilespmem:$0x14980] =	vst v63  }
0x3f: {  	s0 =	simm.s32 $0x0  }
0x40: {  	v2 =	vld [tilespmem:s0+$0x6860]  }
0x41: {  	v4 =	vld [tilespmem:s0+$0x13060]  }
0x42: {  	v3 =	vld [tilespmem:s0+$0x6840]  }
0x43: {  	v5 =	vld [tilespmem:s0+$0x13040]  }
0x44: {  	v6 =	vld [tilespmem:s0+$0x6820]  }
0x45: {  	v7 =	vld [tilespmem:s0+$0x13020]  }
0x46: {  	v10 =	vld [tilespmem:s0+$0x6800]  }
0x47: {  	v11 =	vld [tilespmem:s0+$0x13000]  }
0x48: {  	v8 =	vimm.f32 $0.0e+00;
	v9 =	vimm.f32 $0.0e+00;
	s1 =	simm.s32 $0x200;
	v12 =	vld [tilespmem:s0+$0x6810]  }
.LBB2_3:
0x49: {  	p1 =	sne.s32 s1, $0x6200;
	v13 =	vld [tilespmem:s0+$0x13010]  }
0x4a: {  	v14 =	vld [tilespmem:s0+$0x6830]  }
0x4b: {  	v15 =	vld [tilespmem:s0+$0x13030]  }
0x4c: {  	v16 =	vld [tilespmem:s0+$0x6850]  }
0x4d: {  	v17 =	vld [tilespmem:s0+$0x13050]  }
0x4e: {  	v10 =	vmul.f32 v11, v10;
	v11 =	vmul.f32 v13, v12;
	v12 =	vld [tilespmem:s0+$0x6870]  }
0x4f: {  	v6 =	vmul.f32 v7, v6;
	v7 =	vld [tilespmem:s0+$0x13070];
	s0 =	sshra.s32 s1, $0x2  }
0x50: {  	v8 =	vadd.f32 v10, v8;
	v13 =	vld [tilespmem:s0+$0x6860];
	v9 =	vadd.f32 v11, v9;
	v10 =	vmul.f32 v15, v14  }
0x51: {  	v14 =	vmul.f32 v5, v3;
	v11 =	vld [tilespmem:s0+$0x13060]  }
0x52: {  	v8 =	vadd.f32 v6, v8;
	v3 =	vld [tilespmem:s0+$0x6840];
	v9 =	vadd.f32 v10, v9;
	v10 =	vmul.f32 v17, v16  }
0x53: {  	v15 =	vmul.f32 v4, v2;
	v5 =	vld [tilespmem:s0+$0x13040]  }
.Ltmp0:
0x54: {  	v8 =	vadd.f32 v14, v8;
	v6 =	vld [tilespmem:s0+$0x6820];
	v9 =	vadd.f32 v10, v9;
	v12 =	vmul.f32 v7, v12;
	(pc) =	sbr.rel @p1 .LBB2_3-.Ltmp0, $4  }
0x55: {  	v7 =	vld [tilespmem:s0+$0x13020];
	v2 =	vmov v13  }
0x56: {  	v8 =	vadd.f32 v15, v8;
	v10 =	vld [tilespmem:s0+$0x6800];
	v9 =	vadd.f32 v12, v9;
	v4 =	vmov v11  }
0x57: {  	v11 =	vld [tilespmem:s0+$0x13000]  }
0x58: {  	s1 =	sadd.s32 $0x200, s1;
	v12 =	vld [tilespmem:s0+$0x6810]  }
0x59: {  	v13 =	vld [tilespmem:s0+$0x13010]  }
0x5a: {  	v14 =	vld [tilespmem:s0+$0x6830]  }
0x5b: {  	v15 =	vld [tilespmem:s0+$0x13030]  }
0x5c: {  	v16 =	vld [tilespmem:s0+$0x6850]  }
0x5d: {  	v17 =	vld [tilespmem:s0+$0x13050];
	v6 =	vmul.f32 v7, v6  }
0x5e: {  	v7 =	vld [tilespmem:s0+$0x13070];
	v10 =	vmul.f32 v11, v10;
	v11 =	vmul.f32 v13, v12  }
0x5f: {  	v12 =	vld [tilespmem:s0+$0x6870]  }
0x60: {  	v8 =	vadd.f32 v10, v8;
	v10 =	vmul.f32 v15, v14;
	v9 =	vadd.f32 v11, v9  }
0x61: {  	v3 =	vmul.f32 v5, v3  }
0x62: {  	v5 =	vadd.f32 v6, v8;
	v8 =	vmul.f32 v17, v16;
	v6 =	vadd.f32 v10, v9  }
0x63: {  	v2 =	vmul.f32 v4, v2  }
0x64: {  	v3 =	vadd.f32 v3, v5;
	v5 =	vmul.f32 v7, v12;
	v4 =	vadd.f32 v8, v6;
	_ =	sdelay $0x1  }
0x65: {  	v2 =	vadd.f32 v2, v3;
	v3 =	vadd.f32 v5, v4;
	_ =	sdelay $0x1  }
0x66: {  	v2 =	vadd.f32 v3, v2;
	_ =	sdelay $0x1  }
0x67: {  	(xrf2) =	vadd.scan.msk.f32 $0xffff, v2;
	_ =	sdelay $0x9  }
0x68: {  	v8, _, _ =	vpop (xrf2)  }
0x69: {  	_ =	swait.ge [sflag:s20], $0xC80  }
0x6a: {  	[sflag:s20] =	ssyncset.done $0x0  }
0x6b: {  	[sflag:s20] =	ssyncadd.s32 $0xFFFFF380  }
0x6c: {  	_ =	swait.ge [sflag:s20], $0xC80  }
0x6d: {  	s1 =	simm.s32 @!p0 $0x64;
	[sflag:s20] =	ssyncset.done $0x0  }
0x6e: {  	s9 =	simm.s32 @!p0 $0x8100;
	s0 =	sadd.s32 @!p0 $0x750, s31;
	[sflag:s20] =	ssyncadd.s32 $0xFFFFF380  }
0x6f: {  	[tilespmem:s9], [sflag:$0x2] =	stream.indirect.gather @!p0 [hbm4b:s3+s1], $0x20, s0, s1, $0xb8;
	[tilespmem:$0x14980] =	vst v63  }
0x70: {  	s0 =	sadd.s32 @!p0 $0x7B8, s31;
	s9 =	simm.s32 @!p0 $0x8D80  }
0x71: {  	[tilespmem:s9], [sflag:$0x2] =	stream.indirect.gather @!p0 [hbm4b:s3+s1], $0x20, s0, s1, $0xb8;
	[tilespmem:$0x14980] =	vst v63  }
0x72: {  	s9 =	simm.s32 $0x0  }
0x73: {  	v2 =	vld [tilespmem:s9+$0x8160]  }
0x74: {  	v4 =	vld [tilespmem:s9+$0x13060]  }
0x75: {  	v3 =	vld [tilespmem:s9+$0x8140]  }
0x76: {  	v5 =	vld [tilespmem:s9+$0x13040]  }
0x77: {  	s0 =	sand.u32 $0x1, s30;
	v6 =	vld [tilespmem:s9+$0x8120]  }
0x78: {  	s1 =	sshll.u32 s0, $0x3;
	v7 =	vld [tilespmem:s9+$0x13020]  }
0x79: {  	v8 =	vbroadcast v8, $0xF;
	v10 =	vld [tilespmem:s9+$0x8100];
	v9 =	vmov s1  }
0x7a: {  	v11 =	vld [tilespmem:s9+$0x13000];
	vm0 =	veq.s32 v9, v0  }
0x7b: {  	s11 =	simm.s32 $0x200;
	v12 =	vld [tilespmem:s9+$0x8110];
	v9 =	vimm.f32 $0.0e+00;
	v1 =	vsel vm0, v8, v1;
	v8 =	vimm.f32 $0.0e+00  }
.LBB2_5:
0x7c: {  	p1 =	sne.s32 s11, $0x6200;
	v13 =	vld [tilespmem:s9+$0x13010]  }
0x7d: {  	v14 =	vld [tilespmem:s9+$0x8130]  }
0x7e: {  	v15 =	vld [tilespmem:s9+$0x13030]  }
0x7f: {  	v16 =	vld [tilespmem:s9+$0x8150]  }
0x80: {  	v17 =	vld [tilespmem:s9+$0x13050]  }
0x81: {  	v10 =	vmul.f32 v11, v10;
	v11 =	vmul.f32 v13, v12;
	v12 =	vld [tilespmem:s9+$0x8170]  }
0x82: {  	v6 =	vmul.f32 v7, v6;
	v7 =	vld [tilespmem:s9+$0x13070];
	s9 =	sshra.s32 s11, $0x2  }
0x83: {  	v8 =	vadd.f32 v10, v8;
	v13 =	vld [tilespmem:s9+$0x8160];
	v9 =	vadd.f32 v11, v9;
	v10 =	vmul.f32 v15, v14  }
0x84: {  	v14 =	vmul.f32 v5, v3;
	v11 =	vld [tilespmem:s9+$0x13060]  }
0x85: {  	v8 =	vadd.f32 v6, v8;
	v3 =	vld [tilespmem:s9+$0x8140];
	v9 =	vadd.f32 v10, v9;
	v10 =	vmul.f32 v17, v16  }
0x86: {  	v15 =	vmul.f32 v4, v2;
	v5 =	vld [tilespmem:s9+$0x13040]  }
.Ltmp1:
0x87: {  	v8 =	vadd.f32 v14, v8;
	v6 =	vld [tilespmem:s9+$0x8120];
	v9 =	vadd.f32 v10, v9;
	v12 =	vmul.f32 v7, v12;
	(pc) =	sbr.rel @p1 .LBB2_5-.Ltmp1, $4  }
0x88: {  	v7 =	vld [tilespmem:s9+$0x13020];
	v2 =	vmov v13  }
0x89: {  	v8 =	vadd.f32 v15, v8;
	v10 =	vld [tilespmem:s9+$0x8100];
	v9 =	vadd.f32 v12, v9;
	v4 =	vmov v11  }
0x8a: {  	v11 =	vld [tilespmem:s9+$0x13000]  }
0x8b: {  	s11 =	sadd.s32 $0x200, s11;
	v12 =	vld [tilespmem:s9+$0x8110]  }
0x8c: {  	v13 =	vld [tilespmem:s9+$0x13010]  }
0x8d: {  	v14 =	vld [tilespmem:s9+$0x8130]  }
0x8e: {  	v15 =	vld [tilespmem:s9+$0x13030]  }
0x8f: {  	v16 =	vld [tilespmem:s9+$0x8150]  }
0x90: {  	v17 =	vld [tilespmem:s9+$0x13050];
	v6 =	vmul.f32 v7, v6  }
0x91: {  	v7 =	vld [tilespmem:s9+$0x13070];
	v10 =	vmul.f32 v11, v10;
	v11 =	vmul.f32 v13, v12  }
0x92: {  	v12 =	vld [tilespmem:s9+$0x8170]  }
0x93: {  	v8 =	vadd.f32 v10, v8;
	v10 =	vmul.f32 v15, v14;
	v9 =	vadd.f32 v11, v9  }
0x94: {  	v3 =	vmul.f32 v5, v3  }
0x95: {  	v5 =	vadd.f32 v6, v8;
	v8 =	vmul.f32 v17, v16;
	v6 =	vadd.f32 v10, v9  }
0x96: {  	v2 =	vmul.f32 v4, v2  }
0x97: {  	v3 =	vadd.f32 v3, v5;
	v5 =	vmul.f32 v7, v12;
	v4 =	vadd.f32 v8, v6;
	_ =	sdelay $0x1  }
0x98: {  	v2 =	vadd.f32 v2, v3;
	v3 =	vadd.f32 v5, v4;
	_ =	sdelay $0x1  }
0x99: {  	v2 =	vadd.f32 v3, v2;
	_ =	sdelay $0x1  }
0x9a: {  	(xrf2) =	vadd.scan.msk.f32 $0xffff, v2;
	_ =	sdelay $0x9  }
0x9b: {  	v8, _, _ =	vpop (xrf2)  }
0x9c: {  	_ =	swait.ge [sflag:s21], $0xC80  }
0x9d: {  	[sflag:s21] =	ssyncset.done $0x0  }
0x9e: {  	[sflag:s21] =	ssyncadd.s32 $0xFFFFF380  }
0x9f: {  	_ =	swait.ge [sflag:s21], $0xC80  }
0xa0: {  	s11 =	simm.s32 @!p0 $0x64;
	[sflag:s21] =	ssyncset.done $0x0  }
0xa1: {  	s12 =	simm.s32 @!p0 $0x9A00;
	s9 =	sadd.s32 @!p0 $0x820, s31;
	[sflag:s21] =	ssyncadd.s32 $0xFFFFF380  }
0xa2: {  	[tilespmem:s12], [sflag:$0x3] =	stream.indirect.gather @!p0 [hbm4b:s3+s11], $0x20, s9, s11, $0xb8;
	[tilespmem:$0x14980] =	vst v63  }
0xa3: {  	s9 =	sadd.s32 @!p0 $0x888, s31;
	s12 =	simm.s32 @!p0 $0xA680  }
0xa4: {  	[tilespmem:s12], [sflag:$0x3] =	stream.indirect.gather @!p0 [hbm4b:s3+s11], $0x20, s9, s11, $0xb8;
	[tilespmem:$0x14980] =	vst v63  }
0xa5: {  	s9 =	simm.s32 $0x0  }
0xa6: {  	v2 =	vld [tilespmem:s9+$0x9A60]  }
0xa7: {  	v4 =	vld [tilespmem:s9+$0x13060]  }
0xa8: {  	v3 =	vld [tilespmem:s9+$0x9A40]  }
0xa9: {  	v5 =	vld [tilespmem:s9+$0x13040]  }
0xaa: {  	v6 =	vld [tilespmem:s9+$0x9A20]  }
0xab: {  	s12 =	sor.u32 $0x1, s1;
	v7 =	vld [tilespmem:s9+$0x13020]  }
0xac: {  	v8 =	vbroadcast v8, $0xF;
	v9 =	vmov s12;
	v10 =	vld [tilespmem:s9+$0x9A00]  }
0xad: {  	v11 =	vld [tilespmem:s9+$0x13000];
	vm0 =	veq.s32 v9, v0  }
0xae: {  	s11 =	simm.s32 $0x200;
	v12 =	vld [tilespmem:s9+$0x9A10];
	v9 =	vimm.f32 $0.0e+00;
	v1 =	vsel vm0, v8, v1;
	v8 =	vimm.f32 $0.0e+00  }
.LBB2_7:
0xaf: {  	p1 =	sne.s32 s11, $0x6200;
	v13 =	vld [tilespmem:s9+$0x13010]  }
0xb0: {  	v14 =	vld [tilespmem:s9+$0x9A30]  }
0xb1: {  	v15 =	vld [tilespmem:s9+$0x13030]  }
0xb2: {  	v16 =	vld [tilespmem:s9+$0x9A50]  }
0xb3: {  	v17 =	vld [tilespmem:s9+$0x13050]  }
0xb4: {  	v10 =	vmul.f32 v11, v10;
	v11 =	vmul.f32 v13, v12;
	v12 =	vld [tilespmem:s9+$0x9A70]  }
0xb5: {  	v6 =	vmul.f32 v7, v6;
	v7 =	vld [tilespmem:s9+$0x13070];
	s9 =	sshra.s32 s11, $0x2  }
0xb6: {  	v8 =	vadd.f32 v10, v8;
	v13 =	vld [tilespmem:s9+$0x9A60];
	v9 =	vadd.f32 v11, v9;
	v10 =	vmul.f32 v15, v14  }
0xb7: {  	v14 =	vmul.f32 v5, v3;
	v11 =	vld [tilespmem:s9+$0x13060]  }
0xb8: {  	v8 =	vadd.f32 v6, v8;
	v3 =	vld [tilespmem:s9+$0x9A40];
	v9 =	vadd.f32 v10, v9;
	v10 =	vmul.f32 v17, v16  }
0xb9: {  	v15 =	vmul.f32 v4, v2;
	v5 =	vld [tilespmem:s9+$0x13040]  }
.Ltmp2:
0xba: {  	v8 =	vadd.f32 v14, v8;
	v6 =	vld [tilespmem:s9+$0x9A20];
	v9 =	vadd.f32 v10, v9;
	v12 =	vmul.f32 v7, v12;
	(pc) =	sbr.rel @p1 .LBB2_7-.Ltmp2, $4  }
0xbb: {  	v7 =	vld [tilespmem:s9+$0x13020];
	v2 =	vmov v13  }
0xbc: {  	v8 =	vadd.f32 v15, v8;
	v10 =	vld [tilespmem:s9+$0x9A00];
	v9 =	vadd.f32 v12, v9;
	v4 =	vmov v11  }
0xbd: {  	v11 =	vld [tilespmem:s9+$0x13000]  }
0xbe: {  	s11 =	sadd.s32 $0x200, s11;
	v12 =	vld [tilespmem:s9+$0x9A10]  }
0xbf: {  	v13 =	vld [tilespmem:s9+$0x13010]  }
0xc0: {  	v14 =	vld [tilespmem:s9+$0x9A30]  }
0xc1: {  	v15 =	vld [tilespmem:s9+$0x13030]  }
0xc2: {  	v16 =	vld [tilespmem:s9+$0x9A50]  }
0xc3: {  	v17 =	vld [tilespmem:s9+$0x13050];
	v6 =	vmul.f32 v7, v6  }
0xc4: {  	v7 =	vld [tilespmem:s9+$0x13070];
	v10 =	vmul.f32 v11, v10;
	v11 =	vmul.f32 v13, v12  }
0xc5: {  	v12 =	vld [tilespmem:s9+$0x9A70]  }
0xc6: {  	v8 =	vadd.f32 v10, v8;
	v10 =	vmul.f32 v15, v14;
	v9 =	vadd.f32 v11, v9  }
0xc7: {  	v3 =	vmul.f32 v5, v3  }
0xc8: {  	v5 =	vadd.f32 v6, v8;
	v8 =	vmul.f32 v17, v16;
	v6 =	vadd.f32 v10, v9  }
0xc9: {  	v2 =	vmul.f32 v4, v2  }
0xca: {  	v3 =	vadd.f32 v3, v5;
	v5 =	vmul.f32 v7, v12;
	v4 =	vadd.f32 v8, v6;
	_ =	sdelay $0x1  }
0xcb: {  	v2 =	vadd.f32 v2, v3;
	v3 =	vadd.f32 v5, v4;
	_ =	sdelay $0x1  }
0xcc: {  	v2 =	vadd.f32 v3, v2;
	_ =	sdelay $0x1  }
0xcd: {  	(xrf2) =	vadd.scan.msk.f32 $0xffff, v2;
	_ =	sdelay $0x9  }
0xce: {  	v8, _, _ =	vpop (xrf2)  }
0xcf: {  	_ =	swait.ge [sflag:s22], $0xC80  }
0xd0: {  	[sflag:s22] =	ssyncset.done $0x0  }
0xd1: {  	[sflag:s22] =	ssyncadd.s32 $0xFFFFF380  }
0xd2: {  	_ =	swait.ge [sflag:s22], $0xC80  }
0xd3: {  	s11 =	simm.s32 @!p0 $0x64;
	[sflag:s22] =	ssyncset.done $0x0  }
0xd4: {  	s12 =	simm.s32 @!p0 $0xB300;
	s9 =	sadd.s32 @!p0 $0x8F0, s31;
	[sflag:s22] =	ssyncadd.s32 $0xFFFFF380  }
0xd5: {  	[tilespmem:s12], [sflag:$0x4] =	stream.indirect.gather @!p0 [hbm4b:s3+s11], $0x20, s9, s11, $0xb8;
	[tilespmem:$0x14980] =	vst v63  }
0xd6: {  	s9 =	sadd.s32 @!p0 $0x958, s31;
	s12 =	simm.s32 @!p0 $0xBF80  }
0xd7: {  	[tilespmem:s12], [sflag:$0x4] =	stream.indirect.gather @!p0 [hbm4b:s3+s11], $0x20, s9, s11, $0xb8;
	[tilespmem:$0x14980] =	vst v63  }
0xd8: {  	s9 =	simm.s32 $0x0  }
0xd9: {  	v2 =	vld [tilespmem:s9+$0xB360]  }
0xda: {  	v4 =	vld [tilespmem:s9+$0x13060]  }
0xdb: {  	v3 =	vld [tilespmem:s9+$0xB340]  }
0xdc: {  	v5 =	vld [tilespmem:s9+$0x13040]  }
0xdd: {  	v6 =	vld [tilespmem:s9+$0xB320]  }
0xde: {  	s12 =	sor.u32 $0x2, s1;
	v7 =	vld [tilespmem:s9+$0x13020]  }
0xdf: {  	v8 =	vbroadcast v8, $0xF;
	v9 =	vmov s12;
	v10 =	vld [tilespmem:s9+$0xB300]  }
0xe0: {  	v11 =	vld [tilespmem:s9+$0x13000];
	vm0 =	veq.s32 v9, v0  }
0xe1: {  	s11 =	simm.s32 $0x200;
	v12 =	vld [tilespmem:s9+$0xB310];
	v9 =	vimm.f32 $0.0e+00;
	v1 =	vsel vm0, v8, v1;
	v8 =	vimm.f32 $0.0e+00  }
.LBB2_9:
0xe2: {  	p1 =	sne.s32 s11, $0x6200;
	v13 =	vld [tilespmem:s9+$0x13010]  }
0xe3: {  	v14 =	vld [tilespmem:s9+$0xB330]  }
0xe4: {  	v15 =	vld [tilespmem:s9+$0x13030]  }
0xe5: {  	v16 =	vld [tilespmem:s9+$0xB350]  }
0xe6: {  	v17 =	vld [tilespmem:s9+$0x13050]  }
0xe7: {  	v10 =	vmul.f32 v11, v10;
	v11 =	vmul.f32 v13, v12;
	v12 =	vld [tilespmem:s9+$0xB370]  }
0xe8: {  	v6 =	vmul.f32 v7, v6;
	v7 =	vld [tilespmem:s9+$0x13070];
	s9 =	sshra.s32 s11, $0x2  }
0xe9: {  	v8 =	vadd.f32 v10, v8;
	v13 =	vld [tilespmem:s9+$0xB360];
	v9 =	vadd.f32 v11, v9;
	v10 =	vmul.f32 v15, v14  }
0xea: {  	v14 =	vmul.f32 v5, v3;
	v11 =	vld [tilespmem:s9+$0x13060]  }
0xeb: {  	v8 =	vadd.f32 v6, v8;
	v3 =	vld [tilespmem:s9+$0xB340];
	v9 =	vadd.f32 v10, v9;
	v10 =	vmul.f32 v17, v16  }
0xec: {  	v15 =	vmul.f32 v4, v2;
	v5 =	vld [tilespmem:s9+$0x13040]  }
.Ltmp3:
0xed: {  	v8 =	vadd.f32 v14, v8;
	v6 =	vld [tilespmem:s9+$0xB320];
	v9 =	vadd.f32 v10, v9;
	v12 =	vmul.f32 v7, v12;
	(pc) =	sbr.rel @p1 .LBB2_9-.Ltmp3, $4  }
0xee: {  	v7 =	vld [tilespmem:s9+$0x13020];
	v2 =	vmov v13  }
0xef: {  	v8 =	vadd.f32 v15, v8;
	v10 =	vld [tilespmem:s9+$0xB300];
	v9 =	vadd.f32 v12, v9;
	v4 =	vmov v11  }
0xf0: {  	v11 =	vld [tilespmem:s9+$0x13000]  }
0xf1: {  	s11 =	sadd.s32 $0x200, s11;
	v12 =	vld [tilespmem:s9+$0xB310]  }
0xf2: {  	v13 =	vld [tilespmem:s9+$0x13010]  }
0xf3: {  	v14 =	vld [tilespmem:s9+$0xB330]  }
0xf4: {  	v15 =	vld [tilespmem:s9+$0x13030]  }
0xf5: {  	v16 =	vld [tilespmem:s9+$0xB350]  }
0xf6: {  	v17 =	vld [tilespmem:s9+$0x13050];
	v6 =	vmul.f32 v7, v6  }
0xf7: {  	v7 =	vld [tilespmem:s9+$0x13070];
	v10 =	vmul.f32 v11, v10;
	v11 =	vmul.f32 v13, v12  }
0xf8: {  	v12 =	vld [tilespmem:s9+$0xB370]  }
0xf9: {  	v8 =	vadd.f32 v10, v8;
	v10 =	vmul.f32 v15, v14;
	v9 =	vadd.f32 v11, v9  }
0xfa: {  	v3 =	vmul.f32 v5, v3  }
0xfb: {  	v5 =	vadd.f32 v6, v8;
	v8 =	vmul.f32 v17, v16;
	v6 =	vadd.f32 v10, v9  }
0xfc: {  	v2 =	vmul.f32 v4, v2  }
0xfd: {  	v3 =	vadd.f32 v3, v5;
	v5 =	vmul.f32 v7, v12;
	v4 =	vadd.f32 v8, v6;
	_ =	sdelay $0x1  }
0xfe: {  	v2 =	vadd.f32 v2, v3;
	v3 =	vadd.f32 v5, v4;
	_ =	sdelay $0x1  }
0xff: {  	v2 =	vadd.f32 v3, v2;
	_ =	sdelay $0x1  }
0x100: {  	(xrf2) =	vadd.scan.msk.f32 $0xffff, v2;
	_ =	sdelay $0x9  }
0x101: {  	v8, _, _ =	vpop (xrf2)  }
0x102: {  	_ =	swait.ge [sflag:s23], $0xC80  }
0x103: {  	[sflag:s23] =	ssyncset.done $0x0  }
0x104: {  	[sflag:s23] =	ssyncadd.s32 $0xFFFFF380  }
0x105: {  	_ =	swait.ge [sflag:s23], $0xC80  }
0x106: {  	s11 =	simm.s32 @!p0 $0x64;
	[sflag:s23] =	ssyncset.done $0x0  }
0x107: {  	s12 =	simm.s32 @!p0 $0xCC00;
	s9 =	sadd.s32 @!p0 $0x9C0, s31;
	[sflag:s23] =	ssyncadd.s32 $0xFFFFF380  }
0x108: {  	[tilespmem:s12], [sflag:$0x5] =	stream.indirect.gather @!p0 [hbm4b:s3+s11], $0x20, s9, s11, $0xb8;
	[tilespmem:$0x14980] =	vst v63  }
0x109: {  	s9 =	sadd.s32 @!p0 $0xA28, s31;
	s12 =	simm.s32 @!p0 $0xD880  }
0x10a: {  	[tilespmem:s12], [sflag:$0x5] =	stream.indirect.gather @!p0 [hbm4b:s3+s11], $0x20, s9, s11, $0xb8;
	[tilespmem:$0x14980] =	vst v63  }
0x10b: {  	s9 =	simm.s32 $0x0  }
0x10c: {  	v2 =	vld [tilespmem:s9+$0xCC60]  }
0x10d: {  	v4 =	vld [tilespmem:s9+$0x13060]  }
0x10e: {  	v3 =	vld [tilespmem:s9+$0xCC40]  }
0x10f: {  	v5 =	vld [tilespmem:s9+$0x13040]  }
0x110: {  	v6 =	vld [tilespmem:s9+$0xCC20]  }
0x111: {  	s12 =	sor.u32 $0x3, s1;
	v7 =	vld [tilespmem:s9+$0x13020]  }
0x112: {  	v8 =	vbroadcast v8, $0xF;
	v9 =	vmov s12;
	v10 =	vld [tilespmem:s9+$0xCC00]  }
0x113: {  	v11 =	vld [tilespmem:s9+$0x13000];
	vm0 =	veq.s32 v9, v0  }
0x114: {  	s11 =	simm.s32 $0x200;
	v12 =	vld [tilespmem:s9+$0xCC10];
	v9 =	vimm.f32 $0.0e+00;
	v1 =	vsel vm0, v8, v1;
	v8 =	vimm.f32 $0.0e+00  }
.LBB2_11:
0x115: {  	p1 =	sne.s32 s11, $0x6200;
	v13 =	vld [tilespmem:s9+$0x13010]  }
0x116: {  	v14 =	vld [tilespmem:s9+$0xCC30]  }
0x117: {  	v15 =	vld [tilespmem:s9+$0x13030]  }
0x118: {  	v16 =	vld [tilespmem:s9+$0xCC50]  }
0x119: {  	v17 =	vld [tilespmem:s9+$0x13050]  }
0x11a: {  	v10 =	vmul.f32 v11, v10;
	v11 =	vmul.f32 v13, v12;
	v12 =	vld [tilespmem:s9+$0xCC70]  }
0x11b: {  	v6 =	vmul.f32 v7, v6;
	v7 =	vld [tilespmem:s9+$0x13070];
	s9 =	sshra.s32 s11, $0x2  }
0x11c: {  	v8 =	vadd.f32 v10, v8;
	v13 =	vld [tilespmem:s9+$0xCC60];
	v9 =	vadd.f32 v11, v9;
	v10 =	vmul.f32 v15, v14  }
0x11d: {  	v14 =	vmul.f32 v5, v3;
	v11 =	vld [tilespmem:s9+$0x13060]  }
0x11e: {  	v8 =	vadd.f32 v6, v8;
	v3 =	vld [tilespmem:s9+$0xCC40];
	v9 =	vadd.f32 v10, v9;
	v10 =	vmul.f32 v17, v16  }
0x11f: {  	v15 =	vmul.f32 v4, v2;
	v5 =	vld [tilespmem:s9+$0x13040]  }
.Ltmp4:
0x120: {  	v8 =	vadd.f32 v14, v8;
	v6 =	vld [tilespmem:s9+$0xCC20];
	v9 =	vadd.f32 v10, v9;
	v12 =	vmul.f32 v7, v12;
	(pc) =	sbr.rel @p1 .LBB2_11-.Ltmp4, $4  }
0x121: {  	v7 =	vld [tilespmem:s9+$0x13020];
	v2 =	vmov v13  }
0x122: {  	v8 =	vadd.f32 v15, v8;
	v10 =	vld [tilespmem:s9+$0xCC00];
	v9 =	vadd.f32 v12, v9;
	v4 =	vmov v11  }
0x123: {  	v11 =	vld [tilespmem:s9+$0x13000]  }
0x124: {  	s11 =	sadd.s32 $0x200, s11;
	v12 =	vld [tilespmem:s9+$0xCC10]  }
0x125: {  	v13 =	vld [tilespmem:s9+$0x13010]  }
0x126: {  	v14 =	vld [tilespmem:s9+$0xCC30]  }
0x127: {  	v15 =	vld [tilespmem:s9+$0x13030]  }
0x128: {  	v16 =	vld [tilespmem:s9+$0xCC50]  }
0x129: {  	v17 =	vld [tilespmem:s9+$0x13050];
	v6 =	vmul.f32 v7, v6  }
0x12a: {  	v7 =	vld [tilespmem:s9+$0x13070];
	v10 =	vmul.f32 v11, v10;
	v11 =	vmul.f32 v13, v12  }
0x12b: {  	v12 =	vld [tilespmem:s9+$0xCC70]  }
0x12c: {  	v8 =	vadd.f32 v10, v8;
	v10 =	vmul.f32 v15, v14;
	v9 =	vadd.f32 v11, v9  }
0x12d: {  	v3 =	vmul.f32 v5, v3  }
0x12e: {  	v5 =	vadd.f32 v6, v8;
	v8 =	vmul.f32 v17, v16;
	v6 =	vadd.f32 v10, v9  }
0x12f: {  	v2 =	vmul.f32 v4, v2  }
0x130: {  	v3 =	vadd.f32 v3, v5;
	v5 =	vmul.f32 v7, v12;
	v4 =	vadd.f32 v8, v6;
	_ =	sdelay $0x1  }
0x131: {  	v2 =	vadd.f32 v2, v3;
	v3 =	vadd.f32 v5, v4;
	_ =	sdelay $0x1  }
0x132: {  	v2 =	vadd.f32 v3, v2;
	_ =	sdelay $0x1  }
0x133: {  	(xrf2) =	vadd.scan.msk.f32 $0xffff, v2;
	_ =	sdelay $0x9  }
0x134: {  	v8, _, _ =	vpop (xrf2)  }
0x135: {  	_ =	swait.ge [sflag:s24], $0xC80  }
0x136: {  	[sflag:s24] =	ssyncset.done $0x0  }
0x137: {  	[sflag:s24] =	ssyncadd.s32 $0xFFFFF380  }
0x138: {  	_ =	swait.ge [sflag:s24], $0xC80  }
0x139: {  	s11 =	simm.s32 @!p0 $0x64;
	[sflag:s24] =	ssyncset.done $0x0  }
0x13a: {  	s12 =	simm.s32 @!p0 $0xE500;
	s9 =	sadd.s32 @!p0 $0xA90, s31;
	[sflag:s24] =	ssyncadd.s32 $0xFFFFF380  }
0x13b: {  	[tilespmem:s12], [sflag:$0x6] =	stream.indirect.gather @!p0 [hbm4b:s3+s11], $0x20, s9, s11, $0xb8;
	[tilespmem:$0x14980] =	vst v63  }
0x13c: {  	s9 =	sadd.s32 @!p0 $0xAF8, s31;
	s12 =	simm.s32 @!p0 $0xF180  }
0x13d: {  	[tilespmem:s12], [sflag:$0x6] =	stream.indirect.gather @!p0 [hbm4b:s3+s11], $0x20, s9, s11, $0xb8;
	[tilespmem:$0x14980] =	vst v63  }
0x13e: {  	s9 =	simm.s32 $0x0  }
0x13f: {  	v2 =	vld [tilespmem:s9+$0xE560]  }
0x140: {  	v4 =	vld [tilespmem:s9+$0x13060]  }
0x141: {  	v3 =	vld [tilespmem:s9+$0xE540]  }
0x142: {  	v5 =	vld [tilespmem:s9+$0x13040]  }
0x143: {  	v6 =	vld [tilespmem:s9+$0xE520]  }
0x144: {  	s12 =	sor.u32 $0x4, s1;
	v7 =	vld [tilespmem:s9+$0x13020]  }
0x145: {  	v8 =	vbroadcast v8, $0xF;
	v9 =	vmov s12;
	v10 =	vld [tilespmem:s9+$0xE500]  }
0x146: {  	v11 =	vld [tilespmem:s9+$0x13000];
	vm0 =	veq.s32 v9, v0  }
0x147: {  	s11 =	simm.s32 $0x200;
	v12 =	vld [tilespmem:s9+$0xE510];
	v9 =	vimm.f32 $0.0e+00;
	v1 =	vsel vm0, v8, v1;
	v8 =	vimm.f32 $0.0e+00  }
.LBB2_13:
0x148: {  	p1 =	sne.s32 s11, $0x6200;
	v13 =	vld [tilespmem:s9+$0x13010]  }
0x149: {  	v14 =	vld [tilespmem:s9+$0xE530]  }
0x14a: {  	v15 =	vld [tilespmem:s9+$0x13030]  }
0x14b: {  	v16 =	vld [tilespmem:s9+$0xE550]  }
0x14c: {  	v17 =	vld [tilespmem:s9+$0x13050]  }
0x14d: {  	v10 =	vmul.f32 v11, v10;
	v11 =	vmul.f32 v13, v12;
	v12 =	vld [tilespmem:s9+$0xE570]  }
0x14e: {  	v6 =	vmul.f32 v7, v6;
	v7 =	vld [tilespmem:s9+$0x13070];
	s9 =	sshra.s32 s11, $0x2  }
0x14f: {  	v8 =	vadd.f32 v10, v8;
	v13 =	vld [tilespmem:s9+$0xE560];
	v9 =	vadd.f32 v11, v9;
	v10 =	vmul.f32 v15, v14  }
0x150: {  	v14 =	vmul.f32 v5, v3;
	v11 =	vld [tilespmem:s9+$0x13060]  }
0x151: {  	v8 =	vadd.f32 v6, v8;
	v3 =	vld [tilespmem:s9+$0xE540];
	v9 =	vadd.f32 v10, v9;
	v10 =	vmul.f32 v17, v16  }
0x152: {  	v15 =	vmul.f32 v4, v2;
	v5 =	vld [tilespmem:s9+$0x13040]  }
.Ltmp5:
0x153: {  	v8 =	vadd.f32 v14, v8;
	v6 =	vld [tilespmem:s9+$0xE520];
	v9 =	vadd.f32 v10, v9;
	v12 =	vmul.f32 v7, v12;
	(pc) =	sbr.rel @p1 .LBB2_13-.Ltmp5, $4  }
0x154: {  	v7 =	vld [tilespmem:s9+$0x13020];
	v2 =	vmov v13  }
0x155: {  	v8 =	vadd.f32 v15, v8;
	v10 =	vld [tilespmem:s9+$0xE500];
	v9 =	vadd.f32 v12, v9;
	v4 =	vmov v11  }
0x156: {  	v11 =	vld [tilespmem:s9+$0x13000]  }
0x157: {  	s11 =	sadd.s32 $0x200, s11;
	v12 =	vld [tilespmem:s9+$0xE510]  }
0x158: {  	v13 =	vld [tilespmem:s9+$0x13010]  }
0x159: {  	v14 =	vld [tilespmem:s9+$0xE530]  }
0x15a: {  	v15 =	vld [tilespmem:s9+$0x13030]  }
0x15b: {  	v16 =	vld [tilespmem:s9+$0xE550]  }
0x15c: {  	v17 =	vld [tilespmem:s9+$0x13050];
	v6 =	vmul.f32 v7, v6  }
0x15d: {  	v7 =	vld [tilespmem:s9+$0x13070];
	v10 =	vmul.f32 v11, v10;
	v11 =	vmul.f32 v13, v12  }
0x15e: {  	v12 =	vld [tilespmem:s9+$0xE570]  }
0x15f: {  	v8 =	vadd.f32 v10, v8;
	v10 =	vmul.f32 v15, v14;
	v9 =	vadd.f32 v11, v9  }
0x160: {  	v3 =	vmul.f32 v5, v3  }
0x161: {  	v5 =	vadd.f32 v6, v8;
	v8 =	vmul.f32 v17, v16;
	v6 =	vadd.f32 v10, v9  }
0x162: {  	v2 =	vmul.f32 v4, v2  }
0x163: {  	v3 =	vadd.f32 v3, v5;
	v5 =	vmul.f32 v7, v12;
	v4 =	vadd.f32 v8, v6;
	_ =	sdelay $0x1  }
0x164: {  	v2 =	vadd.f32 v2, v3;
	v3 =	vadd.f32 v5, v4;
	_ =	sdelay $0x1  }
0x165: {  	v2 =	vadd.f32 v3, v2;
	_ =	sdelay $0x1  }
0x166: {  	(xrf2) =	vadd.scan.msk.f32 $0xffff, v2;
	_ =	sdelay $0x9  }
0x167: {  	v8, _, _ =	vpop (xrf2)  }
0x168: {  	_ =	swait.ge [sflag:s25], $0xC80  }
0x169: {  	[sflag:s25] =	ssyncset.done $0x0  }
0x16a: {  	[sflag:s25] =	ssyncadd.s32 $0xFFFFF380  }
0x16b: {  	_ =	swait.ge [sflag:s25], $0xC80  }
0x16c: {  	s11 =	simm.s32 @!p0 $0x64;
	[sflag:s25] =	ssyncset.done $0x0  }
0x16d: {  	s12 =	simm.s32 @!p0 $0xFE00;
	s9 =	sadd.s32 @!p0 $0xB60, s31;
	[sflag:s25] =	ssyncadd.s32 $0xFFFFF380  }
0x16e: {  	[tilespmem:s12], [sflag:$0x7] =	stream.indirect.gather @!p0 [hbm4b:s3+s11], $0x20, s9, s11, $0xb8;
	[tilespmem:$0x14980] =	vst v63  }
0x16f: {  	s9 =	sadd.s32 @!p0 $0xBC8, s31;
	s12 =	simm.s32 @!p0 $0x10A80  }
0x170: {  	[tilespmem:s12], [sflag:$0x7] =	stream.indirect.gather @!p0 [hbm4b:s3+s11], $0x20, s9, s11, $0xb8;
	[tilespmem:$0x14980] =	vst v63  }
0x171: {  	s9 =	simm.s32 $0x0  }
0x172: {  	v2 =	vld [tilespmem:s9+$0xFE60]  }
0x173: {  	v4 =	vld [tilespmem:s9+$0x13060]  }
0x174: {  	v3 =	vld [tilespmem:s9+$0xFE40]  }
0x175: {  	v5 =	vld [tilespmem:s9+$0x13040]  }
0x176: {  	v6 =	vld [tilespmem:s9+$0xFE20]  }
0x177: {  	s12 =	sor.u32 $0x5, s1;
	v7 =	vld [tilespmem:s9+$0x13020]  }
0x178: {  	v8 =	vbroadcast v8, $0xF;
	v9 =	vmov s12;
	v10 =	vld [tilespmem:s9+$0xFE00]  }
0x179: {  	v11 =	vld [tilespmem:s9+$0x13000];
	vm0 =	veq.s32 v9, v0  }
0x17a: {  	s11 =	simm.s32 $0x200;
	v12 =	vld [tilespmem:s9+$0xFE10];
	v9 =	vimm.f32 $0.0e+00;
	v1 =	vsel vm0, v8, v1;
	v8 =	vimm.f32 $0.0e+00  }
.LBB2_15:
0x17b: {  	p1 =	sne.s32 s11, $0x6200;
	v13 =	vld [tilespmem:s9+$0x13010]  }
0x17c: {  	v14 =	vld [tilespmem:s9+$0xFE30]  }
0x17d: {  	v15 =	vld [tilespmem:s9+$0x13030]  }
0x17e: {  	v16 =	vld [tilespmem:s9+$0xFE50]  }
0x17f: {  	v17 =	vld [tilespmem:s9+$0x13050]  }
0x180: {  	v10 =	vmul.f32 v11, v10;
	v11 =	vmul.f32 v13, v12;
	v12 =	vld [tilespmem:s9+$0xFE70]  }
0x181: {  	v6 =	vmul.f32 v7, v6;
	v7 =	vld [tilespmem:s9+$0x13070];
	s9 =	sshra.s32 s11, $0x2  }
0x182: {  	v8 =	vadd.f32 v10, v8;
	v13 =	vld [tilespmem:s9+$0xFE60];
	v9 =	vadd.f32 v11, v9;
	v10 =	vmul.f32 v15, v14  }
0x183: {  	v14 =	vmul.f32 v5, v3;
	v11 =	vld [tilespmem:s9+$0x13060]  }
0x184: {  	v8 =	vadd.f32 v6, v8;
	v3 =	vld [tilespmem:s9+$0xFE40];
	v9 =	vadd.f32 v10, v9;
	v10 =	vmul.f32 v17, v16  }
0x185: {  	v15 =	vmul.f32 v4, v2;
	v5 =	vld [tilespmem:s9+$0x13040]  }
.Ltmp6:
0x186: {  	v8 =	vadd.f32 v14, v8;
	v6 =	vld [tilespmem:s9+$0xFE20];
	v9 =	vadd.f32 v10, v9;
	v12 =	vmul.f32 v7, v12;
	(pc) =	sbr.rel @p1 .LBB2_15-.Ltmp6, $4  }
0x187: {  	v7 =	vld [tilespmem:s9+$0x13020];
	v2 =	vmov v13  }
0x188: {  	v8 =	vadd.f32 v15, v8;
	v10 =	vld [tilespmem:s9+$0xFE00];
	v9 =	vadd.f32 v12, v9;
	v4 =	vmov v11  }
0x189: {  	v11 =	vld [tilespmem:s9+$0x13000]  }
0x18a: {  	s11 =	sadd.s32 $0x200, s11;
	v12 =	vld [tilespmem:s9+$0xFE10]  }
0x18b: {  	v13 =	vld [tilespmem:s9+$0x13010]  }
0x18c: {  	v14 =	vld [tilespmem:s9+$0xFE30]  }
0x18d: {  	v15 =	vld [tilespmem:s9+$0x13030]  }
0x18e: {  	v16 =	vld [tilespmem:s9+$0xFE50]  }
0x18f: {  	v17 =	vld [tilespmem:s9+$0x13050];
	v6 =	vmul.f32 v7, v6  }
0x190: {  	v7 =	vld [tilespmem:s9+$0x13070];
	v10 =	vmul.f32 v11, v10;
	v11 =	vmul.f32 v13, v12  }
0x191: {  	v12 =	vld [tilespmem:s9+$0xFE70]  }
0x192: {  	v8 =	vadd.f32 v10, v8;
	v10 =	vmul.f32 v15, v14;
	v9 =	vadd.f32 v11, v9  }
0x193: {  	v3 =	vmul.f32 v5, v3  }
0x194: {  	v5 =	vadd.f32 v6, v8;
	v8 =	vmul.f32 v17, v16;
	v6 =	vadd.f32 v10, v9  }
0x195: {  	v2 =	vmul.f32 v4, v2  }
0x196: {  	v3 =	vadd.f32 v3, v5;
	v5 =	vmul.f32 v7, v12;
	v4 =	vadd.f32 v8, v6;
	_ =	sdelay $0x1  }
0x197: {  	v2 =	vadd.f32 v2, v3;
	v3 =	vadd.f32 v5, v4;
	_ =	sdelay $0x1  }
0x198: {  	v2 =	vadd.f32 v3, v2;
	_ =	sdelay $0x1  }
0x199: {  	(xrf2) =	vadd.scan.msk.f32 $0xffff, v2;
	_ =	sdelay $0x9  }
0x19a: {  	v8, _, _ =	vpop (xrf2)  }
0x19b: {  	_ =	swait.ge [sflag:s26], $0xC80  }
0x19c: {  	[sflag:s26] =	ssyncset.done $0x0  }
0x19d: {  	[sflag:s26] =	ssyncadd.s32 $0xFFFFF380  }
0x19e: {  	_ =	swait.ge [sflag:s26], $0xC80  }
0x19f: {  	s11 =	simm.s32 @!p0 $0x64;
	[sflag:s26] =	ssyncset.done $0x0  }
0x1a0: {  	s12 =	simm.s32 @!p0 $0x11700;
	s9 =	sadd.s32 @!p0 $0xC30, s31;
	[sflag:s26] =	ssyncadd.s32 $0xFFFFF380  }
0x1a1: {  	[tilespmem:s12], [sflag:$0x8] =	stream.indirect.gather @!p0 [hbm4b:s3+s11], $0x20, s9, s11, $0xb8;
	[tilespmem:$0x14980] =	vst v63  }
0x1a2: {  	s9 =	sadd.s32 @!p0 $0xC98, s31;
	s12 =	simm.s32 @!p0 $0x12380  }
0x1a3: {  	[tilespmem:s12], [sflag:$0x8] =	stream.indirect.gather @!p0 [hbm4b:s3+s11], $0x20, s9, s11, $0xb8;
	[tilespmem:$0x14980] =	vst v63  }
0x1a4: {  	s9 =	simm.s32 $0x0  }
0x1a5: {  	v2 =	vld [tilespmem:s9+$0x11760]  }
0x1a6: {  	v4 =	vld [tilespmem:s9+$0x13060]  }
0x1a7: {  	v3 =	vld [tilespmem:s9+$0x11740]  }
0x1a8: {  	v5 =	vld [tilespmem:s9+$0x13040]  }
0x1a9: {  	v6 =	vld [tilespmem:s9+$0x11720]  }
0x1aa: {  	s31 =	sor.u32 $0x6, s1;
	v7 =	vld [tilespmem:s9+$0x13020]  }
0x1ab: {  	v8 =	vbroadcast v8, $0xF;
	v9 =	vmov s31;
	v10 =	vld [tilespmem:s9+$0x11700]  }
0x1ac: {  	vm0 =	veq.s32 v9, v0;
	v11 =	vld [tilespmem:s9+$0x13000]  }
0x1ad: {  	s11 =	simm.s32 $0x200;
	v9 =	vimm.f32 $0.0e+00;
	v1 =	vsel vm0, v8, v1;
	v8 =	vimm.f32 $0.0e+00;
	v12 =	vld [tilespmem:s9+$0x11710]  }
.LBB2_17:
0x1ae: {  	p0 =	sne.s32 s11, $0x6200;
	v13 =	vld [tilespmem:s9+$0x13010]  }
0x1af: {  	v14 =	vld [tilespmem:s9+$0x11730]  }
0x1b0: {  	v15 =	vld [tilespmem:s9+$0x13030]  }
0x1b1: {  	v16 =	vld [tilespmem:s9+$0x11750]  }
0x1b2: {  	v17 =	vld [tilespmem:s9+$0x13050]  }
0x1b3: {  	v10 =	vmul.f32 v11, v10;
	v11 =	vmul.f32 v13, v12;
	v12 =	vld [tilespmem:s9+$0x11770]  }
0x1b4: {  	v6 =	vmul.f32 v7, v6;
	v7 =	vld [tilespmem:s9+$0x13070];
	s9 =	sshra.s32 s11, $0x2  }
0x1b5: {  	v8 =	vadd.f32 v10, v8;
	v13 =	vld [tilespmem:s9+$0x11760];
	v9 =	vadd.f32 v11, v9;
	v10 =	vmul.f32 v15, v14  }
0x1b6: {  	v14 =	vmul.f32 v5, v3;
	v11 =	vld [tilespmem:s9+$0x13060]  }
0x1b7: {  	v8 =	vadd.f32 v6, v8;
	v3 =	vld [tilespmem:s9+$0x11740];
	v9 =	vadd.f32 v10, v9;
	v10 =	vmul.f32 v17, v16  }
0x1b8: {  	v15 =	vmul.f32 v4, v2;
	v5 =	vld [tilespmem:s9+$0x13040]  }
.Ltmp7:
0x1b9: {  	v8 =	vadd.f32 v14, v8;
	v6 =	vld [tilespmem:s9+$0x11720];
	v9 =	vadd.f32 v10, v9;
	v12 =	vmul.f32 v7, v12;
	(pc) =	sbr.rel @p0 .LBB2_17-.Ltmp7, $4  }
0x1ba: {  	v7 =	vld [tilespmem:s9+$0x13020];
	v2 =	vmov v13  }
0x1bb: {  	v8 =	vadd.f32 v15, v8;
	v10 =	vld [tilespmem:s9+$0x11700];
	v9 =	vadd.f32 v12, v9;
	v4 =	vmov v11  }
0x1bc: {  	v11 =	vld [tilespmem:s9+$0x13000]  }
0x1bd: {  	s11 =	sadd.s32 $0x200, s11;
	v12 =	vld [tilespmem:s9+$0x11710]  }
0x1be: {  	v13 =	vld [tilespmem:s9+$0x13010]  }
0x1bf: {  	v14 =	vld [tilespmem:s9+$0x11730]  }
0x1c0: {  	v15 =	vld [tilespmem:s9+$0x13030]  }
0x1c1: {  	v16 =	vld [tilespmem:s9+$0x11750]  }
0x1c2: {  	v17 =	vld [tilespmem:s9+$0x13050]  }
0x1c3: {  	v56 =	vld [tilespmem:s9+$0x11770];
	v10 =	vmul.f32 v11, v10;
	v55 =	vmul.f32 v13, v12  }
0x1c4: {  	v57 =	vld [tilespmem:s9+$0x13070];
	v6 =	vmul.f32 v7, v6  }
0x1c5: {  	v8 =	vadd.f32 v10, v8;
	v58 =	vmul.f32 v15, v14;
	v9 =	vadd.f32 v55, v9  }
0x1c6: {  	v3 =	vmul.f32 v5, v3  }
0x1c7: {  	v61 =	vmul.f32 v17, v16;
	v59 =	vadd.f32 v6, v8;
	v60 =	vadd.f32 v58, v9  }
0x1c8: {  	v2 =	vmul.f32 v4, v2  }
0x1c9: {  	v63 =	vmul.f32 v57, v56;
	v3 =	vadd.f32 v3, v59;
	v62 =	vadd.f32 v61, v60;
	_ =	sdelay $0x1  }
0x1ca: {  	v2 =	vadd.f32 v2, v3;
	v3 =	vadd.f32 v63, v62;
	_ =	sdelay $0x1  }
0x1cb: {  	v2 =	vadd.f32 v3, v2;
	_ =	sdelay $0x1  }
0x1cc: {  	(xrf2) =	vadd.scan.msk.f32 $0xffff, v2;
	_ =	sdelay $0x6  }
0x1cd: {  	p0 =	seq.s32 s0, $0x0  }
0x1ce: {  	s0 =	sshll.u32 @!p0 s30, $0x3;
	s30 =	sadd.s32 $0x1, s30  }
0x1cf: {  	p1 =	sne.s32 s30, $0x10  }
.Ltmp8:
0x1d0: {  	s1 =	sor.u32 $0x7, s1;
	v2, _, _ =	vpop (xrf2);
	(pc) =	sbr.rel @p1 .LBB2_2-.Ltmp8, $4  }
0x1d1: {  	v3 =	vmov s1;
	v2 =	vbroadcast v2, $0xF  }
0x1d2: {  	vm0 =	veq.s32 v3, v0  }
0x1d3: {  	s0 =	sand.u32 @!p0 $0x70, s0;
	v1 =	vsel vm0, v2, v1  }
0x1d4: {  	[tilespmem:s0+$0x14900] =	vst @!p0 v1;
	v1 =	vpsel !p0, $0x0, v1  }
0x1d5: {  	s29 =	sadd.s32 $0x1, s29  }
0x1d6: {  	p0 =	sne.s32 s29, s7  }
.Ltmp9:
0x1d7: {  	_ = 	snop;
	(pc) =	sbr.rel @p0 .LBB2_1-.Ltmp9, $4  }
0x1d8: {  	[hbm4b:s6+s2] =	stream.linear.scatter [tilespmem:s28], [sflag:$0x9], $0x80, $0x38;
	[tilespmem:$0x14980] =	vst v63  }
0x1d9: {  	_ =	swait.ge [sflag:s8], $0x80  }
0x1da: {  	[sflag:s8] =	ssyncset.done $0x0  }
0x1db: {  	[sflag:s8] =	ssyncadd.s32 $0xFFFFFF80  }
0x1dc: {  	_ =	sfence.sel $0x180000  }
0x1dd: {  	[bflag:$0x0] =	sbarrier.arrive $0xFFFF  }
0x1de: {  	_ =	strace $0x90000047  }
0x1df: {  	s0 =	stileid.u32;
	[bflag:$0x2] =	sbarrier.arrive $0xFFFF  }
0x1e0: {  	p0 =	sne.s32 s0, $0x0;
	s0 =	rddreg [dreg:$0x2]  }
0x1e1: {  	s0 =	sadd.s32 @!p0 $0x100000, s0  }
0x1e2: {  	[sflag:s0] =	ssyncadd.tile.s32 @!p0 $0x1;
	_ =	shalt  }
.Lfunc_end2:
_tile_overlayer_lowered:
.L_overlay_start_2:
0x1e3: {  	(tag) =	ssettag $0x2  }
0x1e4: {  	s0 =	rddreg [dreg:$0x0];
	s2 =	stileid.u32  }
0x1e5: {  	s1 =	rddreg [dreg:$0x1];
	p0 =	sne.s32 s2, $0x0  }
0x1e6: {  	s3 =	rddreg [dreg:$0x2];
	[bflag:$0x3] =	sbarrier.arrive $0xFFFF;
	s2 =	simm.s32 @!p0 $0x1C09  }
0x1e7: {  	[timem:s3], [sflag:s2] =	dma.local @!p0 [hbm:s0], s1  }
0x1e8: {  	s0 =	simm.s32 @!p0 $0x9  }
0x1e9: {  	_ =	swait.ge @!p0 [sflag:s0], s1  }
0x1ea: {  	s1 =	ssub.s32 @!p0 $0x0, s1;
	[sflag:s0] =	ssyncset.done @!p0 $0x0  }
0x1eb: {  	[sflag:s0] =	ssyncadd.s32 @!p0 s1  }
0x1ec: {  	[bflag:$0x3] =	sbarrier.arrive $0xFFFF  }
0x1ed: {  	_ =	shalt  }

</sc_bundles>
